<compile_context>
chip_gen: v7x
topology: tpu7x:2x2x1
jax: 0.10.2.dev20260603
libtpu: 0.0.44.dev20260713+nightly
codegen_flags: <defaults>
</compile_context>

<pallas_src>
import functools

import jax
import jax.numpy as jnp
from jax import lax
from jax.experimental import pallas as pl
from jax.experimental.pallas import tpu as pltpu
from jax.experimental.pallas import tpu_sc as plsc

_N = 10000
_E = 320000
_D = 128
_T = 4

_NC = 2
_NS = 16
_K = 80
_EPT = _E // _NS
_CH = _EPT // _K
_RPT = _N // _NS
_RR = 4
_RI = 8


def _sc_segment_sum(tables, idx_all, zeros):
  mesh = plsc.VectorSubcoreMesh(core_axis_name="c", subcore_axis_name="s")

  @functools.partial(
      pl.kernel,
      out_type=jax.ShapeDtypeStruct((_NC * _NS, _RPT, _D), jnp.float32),
      mesh=mesh,
      scratch_types=[
          pltpu.VMEM_SHARED((_N, _D), jnp.float32),
          [pltpu.VMEM((4, _K), jnp.int32) for _ in range(_RI // 2)],
          [pltpu.VMEM((_K, _D), jnp.float32) for _ in range(_RR)],
          pltpu.SemaphoreType.DMA,
          pltpu.SemaphoreType.DMA,
          pltpu.SemaphoreType.DMA,
      ],
  )
  def seg_sum(tables_hbm, idx_hbm, zeros_hbm, out_hbm,
              agg_sh, idx_v, rows_v, isem, gsem, ssem):
    c = lax.axis_index("c")
    s = lax.axis_index("s")
    wid = c * _NS + s

    def fire_idx(j, bp):
      pltpu.async_copy(idx_hbm.at[wid, j // 2], idx_v[bp], isem)

    def wait_idx(bp):
      pltpu.make_async_copy(idx_hbm.at[wid, 0], idx_v[bp], isem).wait()

    def fire_gather(bi, br):
      bp, off = bi // 2, 2 * (bi % 2)
      pltpu.async_copy(tables_hbm.at[idx_v[bp].at[off]], rows_v[br], gsem)

    def wait_gather(bi, br):
      bp, off = bi // 2, 2 * (bi % 2)
      pltpu.make_async_copy(tables_hbm.at[idx_v[bp].at[off]],
                            rows_v[br], gsem).wait()

    def fire_scatter(bi, br):
      bp, off = bi // 2, 2 * (bi % 2)
      pltpu.async_copy(rows_v[br], agg_sh.at[idx_v[bp].at[off + 1]],
                       ssem, add=True)

    def wait_scatter(bi, br):
      bp, off = bi // 2, 2 * (bi % 2)
      pltpu.make_async_copy(rows_v[br],
                            agg_sh.at[idx_v[bp].at[off + 1]], ssem).wait()

    for p in range(3):
      fire_idx(2 * p, p)
    wait_idx(0)
    fire_gather(0, 0)
    fire_gather(1, 1)
    wait_idx(1)
    fire_gather(2, 2)

    pltpu.sync_copy(zeros_hbm, agg_sh.at[pl.ds(s * _RPT, _RPT)])
    plsc.subcore_barrier()

    wait_gather(0, 0)
    fire_scatter(0, 0)
    fire_gather(3, 3)

    n_steady = (_CH - 10) - ((_CH - 10) % _RI)

    @pl.loop(0, n_steady // _RI)
    def _(g):
      j0 = 1 + g * _RI
      for u in range(_RI):
        j = j0 + u
        wait_scatter(u % _RI, u % _RR)
        if u % 2 == 1:
          fire_idx(j + 4, ((5 + u) % _RI) // 2)
        wait_gather((1 + u) % _RI, (1 + u) % _RR)
        fire_scatter((1 + u) % _RI, (1 + u) % _RR)
        if u % 2 == 0:
          wait_idx(((4 + u) % _RI) // 2)
        fire_gather((4 + u) % _RI, (4 + u) % _RR)

    for jj in range(1 + n_steady, _CH):
      wait_scatter((jj - 1) % _RI, (jj - 1) % _RR)
      if jj + 4 < _CH and (jj + 4) % 2 == 0:
        fire_idx(jj + 4, ((jj + 4) % _RI) // 2)
      wait_gather(jj % _RI, jj % _RR)
      fire_scatter(jj % _RI, jj % _RR)
      if jj + 3 < _CH:
        if (jj + 3) % 2 == 0:
          wait_idx(((jj + 3) % _RI) // 2)
        fire_gather((jj + 3) % _RI, (jj + 3) % _RR)
    wait_scatter((_CH - 1) % _RI, (_CH - 1) % _RR)

    plsc.subcore_barrier()
    pltpu.sync_copy(agg_sh.at[pl.ds(s * _RPT, _RPT)], out_hbm.at[wid])

  return seg_sum(tables, idx_all, zeros)


def _tc_typed_transform(agg3, anum, Wv, Ws):
  blk = 1000
  grid = _N // blk

  def body(aggv_ref, aggs_ref, anum_ref, wv_ref, ws_ref, vout_ref, sout_ref):
    av = aggv_ref[0]
    as_ = aggs_ref[0]
    an = anum_ref[...]
    accv = jnp.zeros((blk, _D), jnp.float32)
    accs = jnp.zeros((blk, _D), jnp.float32)
    for t in range(_T):
      m = (an == t).astype(jnp.float32)
      accv = accv + jnp.dot(av, wv_ref[t],
                            preferred_element_type=jnp.float32) * m
      accs = accs + jnp.dot(as_, ws_ref[t],
                            preferred_element_type=jnp.float32) * m
    vout_ref[...] = accv * (1.0 / _T)
    sout_ref[...] = accs * (1.0 / _T)

  return pl.pallas_call(
      body,
      grid=(grid,),
      in_specs=[
          pl.BlockSpec((1, blk, _D), lambda i: (0, i, 0)),
          pl.BlockSpec((1, blk, _D), lambda i: (1, i, 0)),
          pl.BlockSpec((blk, 1), lambda i: (i, 0)),
          pl.BlockSpec((_T, _D, _D), lambda i: (0, 0, 0)),
          pl.BlockSpec((_T, _D, _D), lambda i: (0, 0, 0)),
      ],
      out_specs=[
          pl.BlockSpec((blk, _D), lambda i: (i, 0)),
          pl.BlockSpec((blk, _D), lambda i: (i, 0)),
      ],
      out_shape=[
          jax.ShapeDtypeStruct((_N, _D), jnp.float32),
          jax.ShapeDtypeStruct((_N, _D), jnp.float32),
      ],
  )(agg3, agg3, anum, Wv, Ws)


def kernel(nv, ns, edge_index, atomic_number, Wv, Ws):
  src = edge_index[0]
  dst = edge_index[1]

  src3 = src.reshape(_NS, _CH, 1, _K)
  dst3 = dst.reshape(_NS, _CH, 1, _K)
  idx_all = jnp.concatenate([
      jnp.concatenate([src3, dst3], axis=2),
      jnp.concatenate([src3 + _N, dst3], axis=2),
  ], axis=0).reshape(_NC * _NS, _CH // 2, 4, _K)

  tables = jnp.concatenate([nv, ns], axis=0)
  zeros = jnp.zeros((_RPT, _D), jnp.float32)

  agg3 = _sc_segment_sum(tables, idx_all, zeros).reshape(_NC, _N, _D)

  anum = atomic_number.reshape(_N, 1)
  return _tc_typed_transform(agg3, anum, Wv, Ws)

# --- scband reference (transcript-rebuilt; emitter-appended) ---
"""Pipeline reference for scband-hetero-vertex-conv-30588757083011 (READ-ONLY COPY).

The authoritative reference and input builder live on the scoring server;
editing this copy changes nothing except your own understanding.
"""

import jax, jax.numpy as jnp
import numpy as np

N_NODES = 10000
N_EDGES = 320000
D = 128
N_TYPES = 4  # e.g. H, C, N, O


def setup_inputs(seed: int = 0) -> dict:
    key = jax.random.key(seed)
    k1, k2, k3, k4, k5, k6 = jax.random.split(key, 6)
    nv = jax.random.normal(k1, (N_NODES, D), dtype=jnp.float32)
    ns = jax.random.normal(k2, (N_NODES, D), dtype=jnp.float32)
    edge_index = jax.random.randint(k3, (2, N_EDGES), 0, N_NODES, dtype=jnp.int32)
    atomic_number = jax.random.randint(k4, (N_NODES,), 0, N_TYPES, dtype=jnp.int32)
    # Learned params: one GraphConv-style weight per node type, for both the
    # vectorial and the scalar feature streams.
    Wv = jax.random.normal(k5, (N_TYPES, D, D), dtype=jnp.float32) * 0.05
    Ws = jax.random.normal(k6, (N_TYPES, D, D), dtype=jnp.float32) * 0.05
    return {"nv": nv, "ns": ns, "edge_index": edge_index,
            "atomic_number": atomic_number, "Wv": Wv, "Ws": Ws}


def reference(nv, ns, edge_index, atomic_number, Wv, Ws):
    """HeteroVertexConv: for each node type t, take the in-subgraph (all edges
    whose destination node has atomic_number == t), run the per-type GraphConv
    (gather src features, scatter-add to dst, linear transform), then average
    the per-type outputs over types."""
    N = nv.shape[0]
    src = edge_index[0]
    dst = edge_index[1]
    dst_type = atomic_number[dst]  # type of destination node per edge
    msg_v = jnp.take(nv, src, axis=0)  # gather [E, D]
    msg_s = jnp.take(ns, src, axis=0)  # gather [E, D]
    vrsts = []
    srsts = []
    for t in range(N_TYPES):
        # dgl.in_subgraph(g, nid): keep only edges whose dst is of type t
        w = (dst_type == t).astype(nv.dtype)[:, None]
        agg_v = jax.ops.segment_sum(msg_v * w, dst, num_segments=N)
        agg_s = jax.ops.segment_sum(msg_s * w, dst, num_segments=N)
        vrsts.append(agg_v @ Wv[t])
        srsts.append(agg_s @ Ws[t])
    v_out = jnp.stack(vrsts).mean(axis=0)
    s_out = jnp.stack(srsts).mean(axis=0)
    return (v_out, s_out)

if __name__ == "__main__":
    import jax
    _d = setup_inputs()
    print(jax.jit(kernel)(*tuple(_d.values())))

</pallas_src>

<mosaic_0001>
#map = affine_map<(d0, d1) -> (0, 0)>
#map1 = affine_map<(d0, d1) -> (0, 0, 0, 0)>
#map2 = affine_map<(d0, d1) -> (0, 0, 0)>
module attributes {stable_mosaic.version = 14 : i64} {
  func.func @seg_sum(%arg0: i32, %arg1: i32, %arg2: memref<20000x128xf32, #tpu.memory_space<hbm>>, %arg3: memref<32x125x4x80xi32, #tpu.memory_space<hbm>>, %arg4: memref<625x128xf32, #tpu.memory_space<hbm>>, %arg5: memref<32x625x128xf32, #tpu.memory_space<hbm>>, %arg6: memref<10000x128xf32, #tpu.memory_space<vmem_shared>>, %arg7: memref<4x80xi32, #tpu.memory_space<vmem>>, %arg8: memref<4x80xi32, #tpu.memory_space<vmem>>, %arg9: memref<4x80xi32, #tpu.memory_space<vmem>>, %arg10: memref<4x80xi32, #tpu.memory_space<vmem>>, %arg11: memref<80x128xf32, #tpu.memory_space<vmem>>, %arg12: memref<80x128xf32, #tpu.memory_space<vmem>>, %arg13: memref<80x128xf32, #tpu.memory_space<vmem>>, %arg14: memref<80x128xf32, #tpu.memory_space<vmem>>, %arg15: memref<!tpu.dma_semaphore, #tpu.memory_space<semaphore_mem>>, %arg16: memref<!tpu.dma_semaphore, #tpu.memory_space<semaphore_mem>>, %arg17: memref<!tpu.dma_semaphore, #tpu.memory_space<semaphore_mem>>) attributes {dimension_semantics = [#tpu.dimension_semantics<core_parallel>, #tpu.dimension_semantics<subcore_parallel>], iteration_bounds = array<i64: 2, 16>, scalar_prefetch = 0 : i64, scratch_operands = 12 : i64, tpu.core_type = #tpu.core_type<sc_vector_subcore>, window_params = [{transform_indices = #map}, {transform_indices = #map1}, {transform_indices = #map}, {transform_indices = #map2}]} {
    %mul3A = arith.constant 16 : i32
    %mul3A_0 = arith.muli %arg0, %mul3A : i32
    %add3A = arith.addi %mul3A_0, %arg1 : i32
    %dma_start3A = arith.constant 0 : i32
    %dma_start3A_1 = arith.constant 0 : i32
    %dma_start3A_2 = arith.constant 0 : i32
    %dma_start3A_3 = tpu.memref_slice %arg3[%add3A, %dma_start3A, %dma_start3A_1, %dma_start3A_2] : memref<32x125x4x80xi32, #tpu.memory_space<hbm>> -> memref<1x1x4x80xi32, #tpu.memory_space<hbm>>
    %dma_start3A_4 = tpu.memref_squeeze %dma_start3A_3 : memref<1x1x4x80xi32, #tpu.memory_space<hbm>> -> memref<4x80xi32, #tpu.memory_space<hbm>>
    %dma_start3A_5 = arith.constant 0 : i32
    %dma_start3A_6 = arith.constant 0 : i32
    %dma_start3A_7 = tpu.memref_slice %arg3[%add3A, %dma_start3A, %dma_start3A_5, %dma_start3A_6] : memref<32x125x4x80xi32, #tpu.memory_space<hbm>> -> memref<1x1x4x80xi32, #tpu.memory_space<hbm>>
    %dma_start3A_8 = tpu.memref_squeeze %dma_start3A_7 : memref<1x1x4x80xi32, #tpu.memory_space<hbm>> -> memref<4x80xi32, #tpu.memory_space<hbm>>
    tpu.enqueue_dma source(%dma_start3A_8 : memref<4x80xi32, #tpu.memory_space<hbm>>) target(%arg7 : memref<4x80xi32, #tpu.memory_space<vmem>>) target_semaphore(%arg15 : memref<!tpu.dma_semaphore, #tpu.memory_space<semaphore_mem>>)
    %dma_start3A_9 = arith.constant 1 : i32
    %dma_start3A_10 = arith.constant 0 : i32
    %dma_start3A_11 = arith.constant 0 : i32
    %dma_start3A_12 = tpu.memref_slice %arg3[%add3A, %dma_start3A_9, %dma_start3A_10, %dma_start3A_11] : memref<32x125x4x80xi32, #tpu.memory_space<hbm>> -> memref<1x1x4x80xi32, #tpu.memory_space<hbm>>
    %dma_start3A_13 = tpu.memref_squeeze %dma_start3A_12 : memref<1x1x4x80xi32, #tpu.memory_space<hbm>> -> memref<4x80xi32, #tpu.memory_space<hbm>>
    %dma_start3A_14 = arith.constant 0 : i32
    %dma_start3A_15 = arith.constant 0 : i32
    %dma_start3A_16 = tpu.memref_slice %arg3[%add3A, %dma_start3A_9, %dma_start3A_14, %dma_start3A_15] : memref<32x125x4x80xi32, #tpu.memory_space<hbm>> -> memref<1x1x4x80xi32, #tpu.memory_space<hbm>>
    %dma_start3A_17 = tpu.memref_squeeze %dma_start3A_16 : memref<1x1x4x80xi32, #tpu.memory_space<hbm>> -> memref<4x80xi32, #tpu.memory_space<hbm>>
    tpu.enqueue_dma source(%dma_start3A_17 : memref<4x80xi32, #tpu.memory_space<hbm>>) target(%arg8 : memref<4x80xi32, #tpu.memory_space<vmem>>) target_semaphore(%arg15 : memref<!tpu.dma_semaphore, #tpu.memory_space<semaphore_mem>>)
    %dma_start3A_18 = arith.constant 2 : i32
    %dma_start3A_19 = arith.constant 0 : i32
    %dma_start3A_20 = arith.constant 0 : i32
    %dma_start3A_21 = tpu.memref_slice %arg3[%add3A, %dma_start3A_18, %dma_start3A_19, %dma_start3A_20] : memref<32x125x4x80xi32, #tpu.memory_space<hbm>> -> memref<1x1x4x80xi32, #tpu.memory_space<hbm>>
    %dma_start3A_22 = tpu.memref_squeeze %dma_start3A_21 : memref<1x1x4x80xi32, #tpu.memory_space<hbm>> -> memref<4x80xi32, #tpu.memory_space<hbm>>
    %dma_start3A_23 = arith.constant 0 : i32
    %dma_start3A_24 = arith.constant 0 : i32
    %dma_start3A_25 = tpu.memref_slice %arg3[%add3A, %dma_start3A_18, %dma_start3A_23, %dma_start3A_24] : memref<32x125x4x80xi32, #tpu.memory_space<hbm>> -> memref<1x1x4x80xi32, #tpu.memory_space<hbm>>
    %dma_start3A_26 = tpu.memref_squeeze %dma_start3A_25 : memref<1x1x4x80xi32, #tpu.memory_space<hbm>> -> memref<4x80xi32, #tpu.memory_space<hbm>>
    tpu.enqueue_dma source(%dma_start3A_26 : memref<4x80xi32, #tpu.memory_space<hbm>>) target(%arg9 : memref<4x80xi32, #tpu.memory_space<vmem>>) target_semaphore(%arg15 : memref<!tpu.dma_semaphore, #tpu.memory_space<semaphore_mem>>)
    %dma_wait3A = arith.constant 0 : i32
    %dma_wait3A_27 = arith.constant 0 : i32
    %dma_wait3A_28 = arith.constant 0 : i32
    %dma_wait3A_29 = tpu.memref_slice %arg3[%add3A, %dma_wait3A, %dma_wait3A_27, %dma_wait3A_28] : memref<32x125x4x80xi32, #tpu.memory_space<hbm>> -> memref<1x1x4x80xi32, #tpu.memory_space<hbm>>
    %dma_wait3A_30 = tpu.memref_squeeze %dma_wait3A_29 : memref<1x1x4x80xi32, #tpu.memory_space<hbm>> -> memref<4x80xi32, #tpu.memory_space<hbm>>
    %dma_wait3A_31 = arith.constant 0 : i32
    %dma_wait3A_32 = arith.constant 0 : i32
    %dma_wait3A_33 = tpu.memref_slice %arg3[%add3A, %dma_wait3A, %dma_wait3A_31, %dma_wait3A_32] : memref<32x125x4x80xi32, #tpu.memory_space<hbm>> -> memref<1x1x4x80xi32, #tpu.memory_space<hbm>>
    %dma_wait3A_34 = tpu.memref_squeeze %dma_wait3A_33 : memref<1x1x4x80xi32, #tpu.memory_space<hbm>> -> memref<4x80xi32, #tpu.memory_space<hbm>>
    tpu.wait_dma2 semaphore(%arg15 : memref<!tpu.dma_semaphore, #tpu.memory_space<semaphore_mem>>) src(%dma_wait3A_34 : memref<4x80xi32, #tpu.memory_space<hbm>>) dst(%arg7 : memref<4x80xi32, #tpu.memory_space<vmem>>)
    %dma_start3A_35 = arith.constant 0 : i32
    %dma_start3A_36 = arith.constant 0 : i32
    %dma_start3A_37 = tpu.memref_slice %arg7[%dma_start3A_35, %dma_start3A_36] : memref<4x80xi32, #tpu.memory_space<vmem>> -> memref<1x80xi32, #tpu.memory_space<vmem>>
    %dma_start3A_38 = tpu.memref_squeeze %dma_start3A_37 : memref<1x80xi32, #tpu.memory_space<vmem>> -> memref<80xi32, #tpu.memory_space<vmem>>
    %dma_start3A_39 = arith.constant 0 : i32
    %dma_start3A_40 = arith.constant 0 : i32
    %dma_start3A_41 = tpu.memref_slice %arg2[%dma_start3A_39, %dma_start3A_40] : memref<20000x128xf32, #tpu.memory_space<hbm>> -> memref<20000x128xf32, #tpu.memory_space<hbm>>
    tpu.enqueue_indirect_dma source(%dma_start3A_41 : memref<20000x128xf32, #tpu.memory_space<hbm>>) target(%arg11 : memref<80x128xf32, #tpu.memory_space<vmem>>) offsets(%dma_start3A_38 : memref<80xi32, #tpu.memory_space<vmem>>) semaphore(%arg16 : memref<!tpu.dma_semaphore, #tpu.memory_space<semaphore_mem>>)
    %dma_start3A_42 = arith.constant 2 : i32
    %dma_start3A_43 = arith.constant 0 : i32
    %dma_start3A_44 = tpu.memref_slice %arg7[%dma_start3A_42, %dma_start3A_43] : memref<4x80xi32, #tpu.memory_space<vmem>> -> memref<1x80xi32, #tpu.memory_space<vmem>>
    %dma_start3A_45 = tpu.memref_squeeze %dma_start3A_44 : memref<1x80xi32, #tpu.memory_space<vmem>> -> memref<80xi32, #tpu.memory_space<vmem>>
    %dma_start3A_46 = arith.constant 0 : i32
    %dma_start3A_47 = arith.constant 0 : i32
    %dma_start3A_48 = tpu.memref_slice %arg2[%dma_start3A_46, %dma_start3A_47] : memref<20000x128xf32, #tpu.memory_space<hbm>> -> memref<20000x128xf32, #tpu.memory_space<hbm>>
    tpu.enqueue_indirect_dma source(%dma_start3A_48 : memref<20000x128xf32, #tpu.memory_space<hbm>>) target(%arg12 : memref<80x128xf32, #tpu.memory_space<vmem>>) offsets(%dma_start3A_45 : memref<80xi32, #tpu.memory_space<vmem>>) semaphore(%arg16 : memref<!tpu.dma_semaphore, #tpu.memory_space<semaphore_mem>>)
    %dma_wait3A_49 = arith.constant 0 : i32
    %dma_wait3A_50 = arith.constant 0 : i32
    %dma_wait3A_51 = arith.constant 0 : i32
    %dma_wait3A_52 = tpu.memref_slice %arg3[%add3A, %dma_wait3A_49, %dma_wait3A_50, %dma_wait3A_51] : memref<32x125x4x80xi32, #tpu.memory_space<hbm>> -> memref<1x1x4x80xi32, #tpu.memory_space<hbm>>
    %dma_wait3A_53 = tpu.memref_squeeze %dma_wait3A_52 : memref<1x1x4x80xi32, #tpu.memory_space<hbm>> -> memref<4x80xi32, #tpu.memory_space<hbm>>
    %dma_wait3A_54 = arith.constant 0 : i32
    %dma_wait3A_55 = arith.constant 0 : i32
    %dma_wait3A_56 = tpu.memref_slice %arg3[%add3A, %dma_wait3A_49, %dma_wait3A_54, %dma_wait3A_55] : memref<32x125x4x80xi32, #tpu.memory_space<hbm>> -> memref<1x1x4x80xi32, #tpu.memory_space<hbm>>
    %dma_wait3A_57 = tpu.memref_squeeze %dma_wait3A_56 : memref<1x1x4x80xi32, #tpu.memory_space<hbm>> -> memref<4x80xi32, #tpu.memory_space<hbm>>
    tpu.wait_dma2 semaphore(%arg15 : memref<!tpu.dma_semaphore, #tpu.memory_space<semaphore_mem>>) src(%dma_wait3A_57 : memref<4x80xi32, #tpu.memory_space<hbm>>) dst(%arg8 : memref<4x80xi32, #tpu.memory_space<vmem>>)
    %dma_start3A_58 = arith.constant 0 : i32
    %dma_start3A_59 = arith.constant 0 : i32
    %dma_start3A_60 = tpu.memref_slice %arg8[%dma_start3A_58, %dma_start3A_59] : memref<4x80xi32, #tpu.memory_space<vmem>> -> memref<1x80xi32, #tpu.memory_space<vmem>>
    %dma_start3A_61 = tpu.memref_squeeze %dma_start3A_60 : memref<1x80xi32, #tpu.memory_space<vmem>> -> memref<80xi32, #tpu.memory_space<vmem>>
    %dma_start3A_62 = arith.constant 0 : i32
    %dma_start3A_63 = arith.constant 0 : i32
    %dma_start3A_64 = tpu.memref_slice %arg2[%dma_start3A_62, %dma_start3A_63] : memref<20000x128xf32, #tpu.memory_space<hbm>> -> memref<20000x128xf32, #tpu.memory_space<hbm>>
    tpu.enqueue_indirect_dma source(%dma_start3A_64 : memref<20000x128xf32, #tpu.memory_space<hbm>>) target(%arg13 : memref<80x128xf32, #tpu.memory_space<vmem>>) offsets(%dma_start3A_61 : memref<80xi32, #tpu.memory_space<vmem>>) semaphore(%arg16 : memref<!tpu.dma_semaphore, #tpu.memory_space<semaphore_mem>>)
    %mul3A_65 = arith.constant 625 : i32
    %mul3A_66 = arith.muli %arg1, %mul3A_65 : i32
    "tpu.region"() ({
      %run_scoped3A = tpu.sem_alloc : memref<!tpu.dma_semaphore, #tpu.memory_space<semaphore_mem>>
      %dma_start3A_378 = arith.constant 0 : i32
      %dma_start3A_379 = tpu.memref_slice %arg6[%mul3A_66, %dma_start3A_378] : memref<10000x128xf32, #tpu.memory_space<vmem_shared>> -> memref<625x128xf32, #tpu.memory_space<vmem_shared>>
      tpu.enqueue_dma source(%arg4 : memref<625x128xf32, #tpu.memory_space<hbm>>) target(%dma_start3A_379 : memref<625x128xf32, #tpu.memory_space<vmem_shared>>) target_semaphore(%run_scoped3A : memref<!tpu.dma_semaphore, #tpu.memory_space<semaphore_mem>>)
      %dma_wait3A_380 = arith.constant 0 : i32
      %dma_wait3A_381 = tpu.memref_slice %arg6[%mul3A_66, %dma_wait3A_380] : memref<10000x128xf32, #tpu.memory_space<vmem_shared>> -> memref<625x128xf32, #tpu.memory_space<vmem_shared>>
      tpu.wait_dma2 semaphore(%run_scoped3A : memref<!tpu.dma_semaphore, #tpu.memory_space<semaphore_mem>>) src(%arg4 : memref<625x128xf32, #tpu.memory_space<hbm>>) dst(%dma_wait3A_381 : memref<625x128xf32, #tpu.memory_space<vmem_shared>>)
      tpu.yield
    }) : () -> ()
    %barrier3A = arith.constant 0 : index
    tpu.barrier barrier_id(%barrier3A)
    %dma_wait3A_67 = arith.constant 0 : i32
    %dma_wait3A_68 = arith.constant 0 : i32
    %dma_wait3A_69 = tpu.memref_slice %arg7[%dma_wait3A_67, %dma_wait3A_68] : memref<4x80xi32, #tpu.memory_space<vmem>> -> memref<1x80xi32, #tpu.memory_space<vmem>>
    %dma_wait3A_70 = tpu.memref_squeeze %dma_wait3A_69 : memref<1x80xi32, #tpu.memory_space<vmem>> -> memref<80xi32, #tpu.memory_space<vmem>>
    %dma_wait3A_71 = arith.constant 0 : i32
    %dma_wait3A_72 = arith.constant 0 : i32
    %dma_wait3A_73 = tpu.memref_slice %arg2[%dma_wait3A_71, %dma_wait3A_72] : memref<20000x128xf32, #tpu.memory_space<hbm>> -> memref<20000x128xf32, #tpu.memory_space<hbm>>
    tpu.wait_indirect_dma semaphore(%arg16 : memref<!tpu.dma_semaphore, #tpu.memory_space<semaphore_mem>>) src(%dma_wait3A_73 : memref<20000x128xf32, #tpu.memory_space<hbm>>) dst(%arg11 : memref<80x128xf32, #tpu.memory_space<vmem>>)
    %dma_start3A_74 = arith.constant 1 : i32
    %dma_start3A_75 = arith.constant 0 : i32
    %dma_start3A_76 = tpu.memref_slice %arg7[%dma_start3A_74, %dma_start3A_75] : memref<4x80xi32, #tpu.memory_space<vmem>> -> memref<1x80xi32, #tpu.memory_space<vmem>>
    %dma_start3A_77 = tpu.memref_squeeze %dma_start3A_76 : memref<1x80xi32, #tpu.memory_space<vmem>> -> memref<80xi32, #tpu.memory_space<vmem>>
    %dma_start3A_78 = arith.constant 0 : i32
    %dma_start3A_79 = arith.constant 0 : i32
    %dma_start3A_80 = tpu.memref_slice %arg6[%dma_start3A_78, %dma_start3A_79] : memref<10000x128xf32, #tpu.memory_space<vmem_shared>> -> memref<10000x128xf32, #tpu.memory_space<vmem_shared>>
    tpu.enqueue_indirect_dma source(%arg11 : memref<80x128xf32, #tpu.memory_space<vmem>>) target(%dma_start3A_80 : memref<10000x128xf32, #tpu.memory_space<vmem_shared>>) offsets(%dma_start3A_77 : memref<80xi32, #tpu.memory_space<vmem>>) semaphore(%arg17 : memref<!tpu.dma_semaphore, #tpu.memory_space<semaphore_mem>>) {add = true}
    %dma_start3A_81 = arith.constant 2 : i32
    %dma_start3A_82 = arith.constant 0 : i32
    %dma_start3A_83 = tpu.memref_slice %arg8[%dma_start3A_81, %dma_start3A_82] : memref<4x80xi32, #tpu.memory_space<vmem>> -> memref<1x80xi32, #tpu.memory_space<vmem>>
    %dma_start3A_84 = tpu.memref_squeeze %dma_start3A_83 : memref<1x80xi32, #tpu.memory_space<vmem>> -> memref<80xi32, #tpu.memory_space<vmem>>
    %dma_start3A_85 = arith.constant 0 : i32
    %dma_start3A_86 = arith.constant 0 : i32
    %dma_start3A_87 = tpu.memref_slice %arg2[%dma_start3A_85, %dma_start3A_86] : memref<20000x128xf32, #tpu.memory_space<hbm>> -> memref<20000x128xf32, #tpu.memory_space<hbm>>
    tpu.enqueue_indirect_dma source(%dma_start3A_87 : memref<20000x128xf32, #tpu.memory_space<hbm>>) target(%arg14 : memref<80x128xf32, #tpu.memory_space<vmem>>) offsets(%dma_start3A_84 : memref<80xi32, #tpu.memory_space<vmem>>) semaphore(%arg16 : memref<!tpu.dma_semaphore, #tpu.memory_space<semaphore_mem>>)
    %scan3A = arith.constant 0 : i32
    %scan3A_88 = arith.constant 30 : i32
    %scan3A_89 = arith.addi %scan3A, %scan3A_88 : i32
    %scan3A_90 = arith.constant 1 : i32
    scf.for %scan3A_378 = %scan3A to %scan3A_89 step %scan3A_90  : i32 {
      %mul3A_379 = arith.constant 1 : i32
      %mul3A_380 = arith.muli %scan3A_378, %mul3A_379 : i32
      %add3A_381 = arith.constant 0 : i32
      %add3A_382 = arith.addi %add3A_381, %mul3A_380 : i32
      %mul3A_383 = arith.constant 8 : i32
      %mul3A_384 = arith.muli %add3A_382, %mul3A_383 : i32
      %add3A_385 = arith.constant 1 : i32
      %add3A_386 = arith.addi %add3A_385, %mul3A_384 : i32
      %add3A_387 = arith.constant 0 : i32
      %add3A_388 = arith.addi %add3A_386, %add3A_387 : i32
      %dma_wait3A_389 = arith.constant 1 : i32
      %dma_wait3A_390 = arith.constant 0 : i32
      %dma_wait3A_391 = tpu.memref_slice %arg7[%dma_wait3A_389, %dma_wait3A_390] : memref<4x80xi32, #tpu.memory_space<vmem>> -> memref<1x80xi32, #tpu.memory_space<vmem>>
      %dma_wait3A_392 = tpu.memref_squeeze %dma_wait3A_391 : memref<1x80xi32, #tpu.memory_space<vmem>> -> memref<80xi32, #tpu.memory_space<vmem>>
      %dma_wait3A_393 = arith.constant 0 : i32
      %dma_wait3A_394 = arith.constant 0 : i32
      %dma_wait3A_395 = tpu.memref_slice %arg6[%dma_wait3A_393, %dma_wait3A_394] : memref<10000x128xf32, #tpu.memory_space<vmem_shared>> -> memref<10000x128xf32, #tpu.memory_space<vmem_shared>>
      tpu.wait_indirect_dma semaphore(%arg17 : memref<!tpu.dma_semaphore, #tpu.memory_space<semaphore_mem>>) src(%arg11 : memref<80x128xf32, #tpu.memory_space<vmem>>) dst(%dma_wait3A_395 : memref<10000x128xf32, #tpu.memory_space<vmem_shared>>)
      %dma_wait3A_396 = arith.constant 2 : i32
      %dma_wait3A_397 = arith.constant 0 : i32
      %dma_wait3A_398 = tpu.memref_slice %arg7[%dma_wait3A_396, %dma_wait3A_397] : memref<4x80xi32, #tpu.memory_space<vmem>> -> memref<1x80xi32, #tpu.memory_space<vmem>>
      %dma_wait3A_399 = tpu.memref_squeeze %dma_wait3A_398 : memref<1x80xi32, #tpu.memory_space<vmem>> -> memref<80xi32, #tpu.memory_space<vmem>>
      %dma_wait3A_400 = arith.constant 0 : i32
      %dma_wait3A_401 = arith.constant 0 : i32
      %dma_wait3A_402 = tpu.memref_slice %arg2[%dma_wait3A_400, %dma_wait3A_401] : memref<20000x128xf32, #tpu.memory_space<hbm>> -> memref<20000x128xf32, #tpu.memory_space<hbm>>
      tpu.wait_indirect_dma semaphore(%arg16 : memref<!tpu.dma_semaphore, #tpu.memory_space<semaphore_mem>>) src(%dma_wait3A_402 : memref<20000x128xf32, #tpu.memory_space<hbm>>) dst(%arg12 : memref<80x128xf32, #tpu.memory_space<vmem>>)
      %dma_start3A_403 = arith.constant 3 : i32
      %dma_start3A_404 = arith.constant 0 : i32
      %dma_start3A_405 = tpu.memref_slice %arg7[%dma_start3A_403, %dma_start3A_404] : memref<4x80xi32, #tpu.memory_space<vmem>> -> memref<1x80xi32, #tpu.memory_space<vmem>>
      %dma_start3A_406 = tpu.memref_squeeze %dma_start3A_405 : memref<1x80xi32, #tpu.memory_space<vmem>> -> memref<80xi32, #tpu.memory_space<vmem>>
      %dma_start3A_407 = arith.constant 0 : i32
      %dma_start3A_408 = arith.constant 0 : i32
      %dma_start3A_409 = tpu.memref_slice %arg6[%dma_start3A_407, %dma_start3A_408] : memref<10000x128xf32, #tpu.memory_space<vmem_shared>> -> memref<10000x128xf32, #tpu.memory_space<vmem_shared>>
      tpu.enqueue_indirect_dma source(%arg12 : memref<80x128xf32, #tpu.memory_space<vmem>>) target(%dma_start3A_409 : memref<10000x128xf32, #tpu.memory_space<vmem_shared>>) offsets(%dma_start3A_406 : memref<80xi32, #tpu.memory_space<vmem>>) semaphore(%arg17 : memref<!tpu.dma_semaphore, #tpu.memory_space<semaphore_mem>>) {add = true}
      %dma_wait3A_410 = arith.constant 0 : i32
      %dma_wait3A_411 = arith.constant 0 : i32
      %dma_wait3A_412 = arith.constant 0 : i32
      %dma_wait3A_413 = tpu.memref_slice %arg3[%add3A, %dma_wait3A_410, %dma_wait3A_411, %dma_wait3A_412] : memref<32x125x4x80xi32, #tpu.memory_space<hbm>> -> memref<1x1x4x80xi32, #tpu.memory_space<hbm>>
      %dma_wait3A_414 = tpu.memref_squeeze %dma_wait3A_413 : memref<1x1x4x80xi32, #tpu.memory_space<hbm>> -> memref<4x80xi32, #tpu.memory_space<hbm>>
      %dma_wait3A_415 = arith.constant 0 : i32
      %dma_wait3A_416 = arith.constant 0 : i32
      %dma_wait3A_417 = tpu.memref_slice %arg3[%add3A, %dma_wait3A_410, %dma_wait3A_415, %dma_wait3A_416] : memref<32x125x4x80xi32, #tpu.memory_space<hbm>> -> memref<1x1x4x80xi32, #tpu.memory_space<hbm>>
      %dma_wait3A_418 = tpu.memref_squeeze %dma_wait3A_417 : memref<1x1x4x80xi32, #tpu.memory_space<hbm>> -> memref<4x80xi32, #tpu.memory_space<hbm>>
      tpu.wait_dma2 semaphore(%arg15 : memref<!tpu.dma_semaphore, #tpu.memory_space<semaphore_mem>>) src(%dma_wait3A_418 : memref<4x80xi32, #tpu.memory_space<hbm>>) dst(%arg9 : memref<4x80xi32, #tpu.memory_space<vmem>>)
      %dma_start3A_419 = arith.constant 0 : i32
      %dma_start3A_420 = arith.constant 0 : i32
      %dma_start3A_421 = tpu.memref_slice %arg9[%dma_start3A_419, %dma_start3A_420] : memref<4x80xi32, #tpu.memory_space<vmem>> -> memref<1x80xi32, #tpu.memory_space<vmem>>
      %dma_start3A_422 = tpu.memref_squeeze %dma_start3A_421 : memref<1x80xi32, #tpu.memory_space<vmem>> -> memref<80xi32, #tpu.memory_space<vmem>>
      %dma_start3A_423 = arith.constant 0 : i32
      %dma_start3A_424 = arith.constant 0 : i32
      %dma_start3A_425 = tpu.memref_slice %arg2[%dma_start3A_423, %dma_start3A_424] : memref<20000x128xf32, #tpu.memory_space<hbm>> -> memref<20000x128xf32, #tpu.memory_space<hbm>>
      tpu.enqueue_indirect_dma source(%dma_start3A_425 : memref<20000x128xf32, #tpu.memory_space<hbm>>) target(%arg11 : memref<80x128xf32, #tpu.memory_space<vmem>>) offsets(%dma_start3A_422 : memref<80xi32, #tpu.memory_space<vmem>>) semaphore(%arg16 : memref<!tpu.dma_semaphore, #tpu.memory_space<semaphore_mem>>)
      %add3A_426 = arith.constant 1 : i32
      %add3A_427 = arith.addi %add3A_386, %add3A_426 : i32
      %dma_wait3A_428 = arith.constant 3 : i32
      %dma_wait3A_429 = arith.constant 0 : i32
      %dma_wait3A_430 = tpu.memref_slice %arg7[%dma_wait3A_428, %dma_wait3A_429] : memref<4x80xi32, #tpu.memory_space<vmem>> -> memref<1x80xi32, #tpu.memory_space<vmem>>
      %dma_wait3A_431 = tpu.memref_squeeze %dma_wait3A_430 : memref<1x80xi32, #tpu.memory_space<vmem>> -> memref<80xi32, #tpu.memory_space<vmem>>
      %dma_wait3A_432 = arith.constant 0 : i32
      %dma_wait3A_433 = arith.constant 0 : i32
      %dma_wait3A_434 = tpu.memref_slice %arg6[%dma_wait3A_432, %dma_wait3A_433] : memref<10000x128xf32, #tpu.memory_space<vmem_shared>> -> memref<10000x128xf32, #tpu.memory_space<vmem_shared>>
      tpu.wait_indirect_dma semaphore(%arg17 : memref<!tpu.dma_semaphore, #tpu.memory_space<semaphore_mem>>) src(%arg12 : memref<80x128xf32, #tpu.memory_space<vmem>>) dst(%dma_wait3A_434 : memref<10000x128xf32, #tpu.memory_space<vmem_shared>>)
      %add3A_435 = arith.constant 4 : i32
      %add3A_436 = arith.addi %add3A_427, %add3A_435 : i32
      %jit3A = arith.constant 2 : i32
      %div3A = arith.divsi %add3A_436, %jit3A : i32
      %sign3A = arith.constant 0 : i32
      %sign3A_437 = arith.cmpi sgt, %add3A_436, %sign3A : i32
      %sign3A_438 = arith.extui %sign3A_437 : i1 to i32
      %sign3A_439 = arith.constant 0 : i32
      %sign3A_440 = arith.cmpi slt, %add3A_436, %sign3A_439 : i32
      %sign3A_441 = arith.extui %sign3A_440 : i1 to i32
      %sign3A_442 = arith.subi %sign3A_438, %sign3A_441 : i32
      %sign3A_443 = arith.constant 0 : i32
      %sign3A_444 = arith.cmpi sgt, %jit3A, %sign3A_443 : i32
      %sign3A_445 = arith.extui %sign3A_444 : i1 to i32
      %sign3A_446 = arith.constant 0 : i32
      %sign3A_447 = arith.cmpi slt, %jit3A, %sign3A_446 : i32
      %sign3A_448 = arith.extui %sign3A_447 : i1 to i32
      %sign3A_449 = arith.subi %sign3A_445, %sign3A_448 : i32
      %ne3A = arith.cmpi ne, %sign3A_442, %sign3A_449 : i32
      %rem3A = arith.remsi %add3A_436, %jit3A : i32
      %ne3A_450 = arith.constant 0 : i32
      %ne3A_451 = arith.cmpi ne, %rem3A, %ne3A_450 : i32
      %and3A = arith.andi %ne3A, %ne3A_451 : i1
      %sub3A = arith.constant 1 : i32
      %sub3A_452 = arith.subi %div3A, %sub3A : i32
      %select_n3A = arith.select %and3A, %sub3A_452, %div3A : i32
      %dma_start3A_453 = arith.constant 0 : i32
      %dma_start3A_454 = arith.constant 0 : i32
      %dma_start3A_455 = tpu.memref_slice %arg3[%add3A, %select_n3A, %dma_start3A_453, %dma_start3A_454] : memref<32x125x4x80xi32, #tpu.memory_space<hbm>> -> memref<1x1x4x80xi32, #tpu.memory_space<hbm>>
      %dma_start3A_456 = tpu.memref_squeeze %dma_start3A_455 : memref<1x1x4x80xi32, #tpu.memory_space<hbm>> -> memref<4x80xi32, #tpu.memory_space<hbm>>
      %dma_start3A_457 = arith.constant 0 : i32
      %dma_start3A_458 = arith.constant 0 : i32
      %dma_start3A_459 = tpu.memref_slice %arg3[%add3A, %select_n3A, %dma_start3A_457, %dma_start3A_458] : memref<32x125x4x80xi32, #tpu.memory_space<hbm>> -> memref<1x1x4x80xi32, #tpu.memory_space<hbm>>
      %dma_start3A_460 = tpu.memref_squeeze %dma_start3A_459 : memref<1x1x4x80xi32, #tpu.memory_space<hbm>> -> memref<4x80xi32, #tpu.memory_space<hbm>>
      tpu.enqueue_dma source(%dma_start3A_460 : memref<4x80xi32, #tpu.memory_space<hbm>>) target(%arg10 : memref<4x80xi32, #tpu.memory_space<vmem>>) target_semaphore(%arg15 : memref<!tpu.dma_semaphore, #tpu.memory_space<semaphore_mem>>)
      %dma_wait3A_461 = arith.constant 0 : i32
      %dma_wait3A_462 = arith.constant 0 : i32
      %dma_wait3A_463 = tpu.memref_slice %arg8[%dma_wait3A_461, %dma_wait3A_462] : memref<4x80xi32, #tpu.memory_space<vmem>> -> memref<1x80xi32, #tpu.memory_space<vmem>>
      %dma_wait3A_464 = tpu.memref_squeeze %dma_wait3A_463 : memref<1x80xi32, #tpu.memory_space<vmem>> -> memref<80xi32, #tpu.memory_space<vmem>>
      %dma_wait3A_465 = arith.constant 0 : i32
      %dma_wait3A_466 = arith.constant 0 : i32
      %dma_wait3A_467 = tpu.memref_slice %arg2[%dma_wait3A_465, %dma_wait3A_466] : memref<20000x128xf32, #tpu.memory_space<hbm>> -> memref<20000x128xf32, #tpu.memory_space<hbm>>
      tpu.wait_indirect_dma semaphore(%arg16 : memref<!tpu.dma_semaphore, #tpu.memory_space<semaphore_mem>>) src(%dma_wait3A_467 : memref<20000x128xf32, #tpu.memory_space<hbm>>) dst(%arg13 : memref<80x128xf32, #tpu.memory_space<vmem>>)
      %dma_start3A_468 = arith.constant 1 : i32
      %dma_start3A_469 = arith.constant 0 : i32
      %dma_start3A_470 = tpu.memref_slice %arg8[%dma_start3A_468, %dma_start3A_469] : memref<4x80xi32, #tpu.memory_space<vmem>> -> memref<1x80xi32, #tpu.memory_space<vmem>>
      %dma_start3A_471 = tpu.memref_squeeze %dma_start3A_470 : memref<1x80xi32, #tpu.memory_space<vmem>> -> memref<80xi32, #tpu.memory_space<vmem>>
      %dma_start3A_472 = arith.constant 0 : i32
      %dma_start3A_473 = arith.constant 0 : i32
      %dma_start3A_474 = tpu.memref_slice %arg6[%dma_start3A_472, %dma_start3A_473] : memref<10000x128xf32, #tpu.memory_space<vmem_shared>> -> memref<10000x128xf32, #tpu.memory_space<vmem_shared>>
      tpu.enqueue_indirect_dma source(%arg13 : memref<80x128xf32, #tpu.memory_space<vmem>>) target(%dma_start3A_474 : memref<10000x128xf32, #tpu.memory_space<vmem_shared>>) offsets(%dma_start3A_471 : memref<80xi32, #tpu.memory_space<vmem>>) semaphore(%arg17 : memref<!tpu.dma_semaphore, #tpu.memory_space<semaphore_mem>>) {add = true}
      %dma_start3A_475 = arith.constant 2 : i32
      %dma_start3A_476 = arith.constant 0 : i32
      %dma_start3A_477 = tpu.memref_slice %arg9[%dma_start3A_475, %dma_start3A_476] : memref<4x80xi32, #tpu.memory_space<vmem>> -> memref<1x80xi32, #tpu.memory_space<vmem>>
      %dma_start3A_478 = tpu.memref_squeeze %dma_start3A_477 : memref<1x80xi32, #tpu.memory_space<vmem>> -> memref<80xi32, #tpu.memory_space<vmem>>
      %dma_start3A_479 = arith.constant 0 : i32
      %dma_start3A_480 = arith.constant 0 : i32
      %dma_start3A_481 = tpu.memref_slice %arg2[%dma_start3A_479, %dma_start3A_480] : memref<20000x128xf32, #tpu.memory_space<hbm>> -> memref<20000x128xf32, #tpu.memory_space<hbm>>
      tpu.enqueue_indirect_dma source(%dma_start3A_481 : memref<20000x128xf32, #tpu.memory_space<hbm>>) target(%arg12 : memref<80x128xf32, #tpu.memory_space<vmem>>) offsets(%dma_start3A_478 : memref<80xi32, #tpu.memory_space<vmem>>) semaphore(%arg16 : memref<!tpu.dma_semaphore, #tpu.memory_space<semaphore_mem>>)
      %add3A_482 = arith.constant 2 : i32
      %add3A_483 = arith.addi %add3A_386, %add3A_482 : i32
      %dma_wait3A_484 = arith.constant 1 : i32
      %dma_wait3A_485 = arith.constant 0 : i32
      %dma_wait3A_486 = tpu.memref_slice %arg8[%dma_wait3A_484, %dma_wait3A_485] : memref<4x80xi32, #tpu.memory_space<vmem>> -> memref<1x80xi32, #tpu.memory_space<vmem>>
      %dma_wait3A_487 = tpu.memref_squeeze %dma_wait3A_486 : memref<1x80xi32, #tpu.memory_space<vmem>> -> memref<80xi32, #tpu.memory_space<vmem>>
      %dma_wait3A_488 = arith.constant 0 : i32
      %dma_wait3A_489 = arith.constant 0 : i32
      %dma_wait3A_490 = tpu.memref_slice %arg6[%dma_wait3A_488, %dma_wait3A_489] : memref<10000x128xf32, #tpu.memory_space<vmem_shared>> -> memref<10000x128xf32, #tpu.memory_space<vmem_shared>>
      tpu.wait_indirect_dma semaphore(%arg17 : memref<!tpu.dma_semaphore, #tpu.memory_space<semaphore_mem>>) src(%arg13 : memref<80x128xf32, #tpu.memory_space<vmem>>) dst(%dma_wait3A_490 : memref<10000x128xf32, #tpu.memory_space<vmem_shared>>)
      %dma_wait3A_491 = arith.constant 2 : i32
      %dma_wait3A_492 = arith.constant 0 : i32
      %dma_wait3A_493 = tpu.memref_slice %arg8[%dma_wait3A_491, %dma_wait3A_492] : memref<4x80xi32, #tpu.memory_space<vmem>> -> memref<1x80xi32, #tpu.memory_space<vmem>>
      %dma_wait3A_494 = tpu.memref_squeeze %dma_wait3A_493 : memref<1x80xi32, #tpu.memory_space<vmem>> -> memref<80xi32, #tpu.memory_space<vmem>>
      %dma_wait3A_495 = arith.constant 0 : i32
      %dma_wait3A_496 = arith.constant 0 : i32
      %dma_wait3A_497 = tpu.memref_slice %arg2[%dma_wait3A_495, %dma_wait3A_496] : memref<20000x128xf32, #tpu.memory_space<hbm>> -> memref<20000x128xf32, #tpu.memory_space<hbm>>
      tpu.wait_indirect_dma semaphore(%arg16 : memref<!tpu.dma_semaphore, #tpu.memory_space<semaphore_mem>>) src(%dma_wait3A_497 : memref<20000x128xf32, #tpu.memory_space<hbm>>) dst(%arg14 : memref<80x128xf32, #tpu.memory_space<vmem>>)
      %dma_start3A_498 = arith.constant 3 : i32
      %dma_start3A_499 = arith.constant 0 : i32
      %dma_start3A_500 = tpu.memref_slice %arg8[%dma_start3A_498, %dma_start3A_499] : memref<4x80xi32, #tpu.memory_space<vmem>> -> memref<1x80xi32, #tpu.memory_space<vmem>>
      %dma_start3A_501 = tpu.memref_squeeze %dma_start3A_500 : memref<1x80xi32, #tpu.memory_space<vmem>> -> memref<80xi32, #tpu.memory_space<vmem>>
      %dma_start3A_502 = arith.constant 0 : i32
      %dma_start3A_503 = arith.constant 0 : i32
      %dma_start3A_504 = tpu.memref_slice %arg6[%dma_start3A_502, %dma_start3A_503] : memref<10000x128xf32, #tpu.memory_space<vmem_shared>> -> memref<10000x128xf32, #tpu.memory_space<vmem_shared>>
      tpu.enqueue_indirect_dma source(%arg14 : memref<80x128xf32, #tpu.memory_space<vmem>>) target(%dma_start3A_504 : memref<10000x128xf32, #tpu.memory_space<vmem_shared>>) offsets(%dma_start3A_501 : memref<80xi32, #tpu.memory_space<vmem>>) semaphore(%arg17 : memref<!tpu.dma_semaphore, #tpu.memory_space<semaphore_mem>>) {add = true}
      %dma_wait3A_505 = arith.constant 0 : i32
      %dma_wait3A_506 = arith.constant 0 : i32
      %dma_wait3A_507 = arith.constant 0 : i32
      %dma_wait3A_508 = tpu.memref_slice %arg3[%add3A, %dma_wait3A_505, %dma_wait3A_506, %dma_wait3A_507] : memref<32x125x4x80xi32, #tpu.memory_space<hbm>> -> memref<1x1x4x80xi32, #tpu.memory_space<hbm>>
      %dma_wait3A_509 = tpu.memref_squeeze %dma_wait3A_508 : memref<1x1x4x80xi32, #tpu.memory_space<hbm>> -> memref<4x80xi32, #tpu.memory_space<hbm>>
      %dma_wait3A_510 = arith.constant 0 : i32
      %dma_wait3A_511 = arith.constant 0 : i32
      %dma_wait3A_512 = tpu.memref_slice %arg3[%add3A, %dma_wait3A_505, %dma_wait3A_510, %dma_wait3A_511] : memref<32x125x4x80xi32, #tpu.memory_space<hbm>> -> memref<1x1x4x80xi32, #tpu.memory_space<hbm>>
      %dma_wait3A_513 = tpu.memref_squeeze %dma_wait3A_512 : memref<1x1x4x80xi32, #tpu.memory_space<hbm>> -> memref<4x80xi32, #tpu.memory_space<hbm>>
      tpu.wait_dma2 semaphore(%arg15 : memref<!tpu.dma_semaphore, #tpu.memory_space<semaphore_mem>>) src(%dma_wait3A_513 : memref<4x80xi32, #tpu.memory_space<hbm>>) dst(%arg10 : memref<4x80xi32, #tpu.memory_space<vmem>>)
      %dma_start3A_514 = arith.constant 0 : i32
      %dma_start3A_515 = arith.constant 0 : i32
      %dma_start3A_516 = tpu.memref_slice %arg10[%dma_start3A_514, %dma_start3A_515] : memref<4x80xi32, #tpu.memory_space<vmem>> -> memref<1x80xi32, #tpu.memory_space<vmem>>
      %dma_start3A_517 = tpu.memref_squeeze %dma_start3A_516 : memref<1x80xi32, #tpu.memory_space<vmem>> -> memref<80xi32, #tpu.memory_space<vmem>>
      %dma_start3A_518 = arith.constant 0 : i32
      %dma_start3A_519 = arith.constant 0 : i32
      %dma_start3A_520 = tpu.memref_slice %arg2[%dma_start3A_518, %dma_start3A_519] : memref<20000x128xf32, #tpu.memory_space<hbm>> -> memref<20000x128xf32, #tpu.memory_space<hbm>>
      tpu.enqueue_indirect_dma source(%dma_start3A_520 : memref<20000x128xf32, #tpu.memory_space<hbm>>) target(%arg13 : memref<80x128xf32, #tpu.memory_space<vmem>>) offsets(%dma_start3A_517 : memref<80xi32, #tpu.memory_space<vmem>>) semaphore(%arg16 : memref<!tpu.dma_semaphore, #tpu.memory_space<semaphore_mem>>)
      %add3A_521 = arith.constant 3 : i32
      %add3A_522 = arith.addi %add3A_386, %add3A_521 : i32
      %dma_wait3A_523 = arith.constant 3 : i32
      %dma_wait3A_524 = arith.constant 0 : i32
      %dma_wait3A_525 = tpu.memref_slice %arg8[%dma_wait3A_523, %dma_wait3A_524] : memref<4x80xi32, #tpu.memory_space<vmem>> -> memref<1x80xi32, #tpu.memory_space<vmem>>
      %dma_wait3A_526 = tpu.memref_squeeze %dma_wait3A_525 : memref<1x80xi32, #tpu.memory_space<vmem>> -> memref<80xi32, #tpu.memory_space<vmem>>
      %dma_wait3A_527 = arith.constant 0 : i32
      %dma_wait3A_528 = arith.constant 0 : i32
      %dma_wait3A_529 = tpu.memref_slice %arg6[%dma_wait3A_527, %dma_wait3A_528] : memref<10000x128xf32, #tpu.memory_space<vmem_shared>> -> memref<10000x128xf32, #tpu.memory_space<vmem_shared>>
      tpu.wait_indirect_dma semaphore(%arg17 : memref<!tpu.dma_semaphore, #tpu.memory_space<semaphore_mem>>) src(%arg14 : memref<80x128xf32, #tpu.memory_space<vmem>>) dst(%dma_wait3A_529 : memref<10000x128xf32, #tpu.memory_space<vmem_shared>>)
      %add3A_530 = arith.constant 4 : i32
      %add3A_531 = arith.addi %add3A_522, %add3A_530 : i32
      %jit3A_532 = arith.constant 2 : i32
      %div3A_533 = arith.divsi %add3A_531, %jit3A_532 : i32
      %sign3A_534 = arith.constant 0 : i32
      %sign3A_535 = arith.cmpi sgt, %add3A_531, %sign3A_534 : i32
      %sign3A_536 = arith.extui %sign3A_535 : i1 to i32
      %sign3A_537 = arith.constant 0 : i32
      %sign3A_538 = arith.cmpi slt, %add3A_531, %sign3A_537 : i32
      %sign3A_539 = arith.extui %sign3A_538 : i1 to i32
      %sign3A_540 = arith.subi %sign3A_536, %sign3A_539 : i32
      %sign3A_541 = arith.constant 0 : i32
      %sign3A_542 = arith.cmpi sgt, %jit3A_532, %sign3A_541 : i32
      %sign3A_543 = arith.extui %sign3A_542 : i1 to i32
      %sign3A_544 = arith.constant 0 : i32
      %sign3A_545 = arith.cmpi slt, %jit3A_532, %sign3A_544 : i32
      %sign3A_546 = arith.extui %sign3A_545 : i1 to i32
      %sign3A_547 = arith.subi %sign3A_543, %sign3A_546 : i32
      %ne3A_548 = arith.cmpi ne, %sign3A_540, %sign3A_547 : i32
      %rem3A_549 = arith.remsi %add3A_531, %jit3A_532 : i32
      %ne3A_550 = arith.constant 0 : i32
      %ne3A_551 = arith.cmpi ne, %rem3A_549, %ne3A_550 : i32
      %and3A_552 = arith.andi %ne3A_548, %ne3A_551 : i1
      %sub3A_553 = arith.constant 1 : i32
      %sub3A_554 = arith.subi %div3A_533, %sub3A_553 : i32
      %select_n3A_555 = arith.select %and3A_552, %sub3A_554, %div3A_533 : i32
      %dma_start3A_556 = arith.constant 0 : i32
      %dma_start3A_557 = arith.constant 0 : i32
      %dma_start3A_558 = tpu.memref_slice %arg3[%add3A, %select_n3A_555, %dma_start3A_556, %dma_start3A_557] : memref<32x125x4x80xi32, #tpu.memory_space<hbm>> -> memref<1x1x4x80xi32, #tpu.memory_space<hbm>>
      %dma_start3A_559 = tpu.memref_squeeze %dma_start3A_558 : memref<1x1x4x80xi32, #tpu.memory_space<hbm>> -> memref<4x80xi32, #tpu.memory_space<hbm>>
      %dma_start3A_560 = arith.constant 0 : i32
      %dma_start3A_561 = arith.constant 0 : i32
      %dma_start3A_562 = tpu.memref_slice %arg3[%add3A, %select_n3A_555, %dma_start3A_560, %dma_start3A_561] : memref<32x125x4x80xi32, #tpu.memory_space<hbm>> -> memref<1x1x4x80xi32, #tpu.memory_space<hbm>>
      %dma_start3A_563 = tpu.memref_squeeze %dma_start3A_562 : memref<1x1x4x80xi32, #tpu.memory_space<hbm>> -> memref<4x80xi32, #tpu.memory_space<hbm>>
      tpu.enqueue_dma source(%dma_start3A_563 : memref<4x80xi32, #tpu.memory_space<hbm>>) target(%arg7 : memref<4x80xi32, #tpu.memory_space<vmem>>) target_semaphore(%arg15 : memref<!tpu.dma_semaphore, #tpu.memory_space<semaphore_mem>>)
      %dma_wait3A_564 = arith.constant 0 : i32
      %dma_wait3A_565 = arith.constant 0 : i32
      %dma_wait3A_566 = tpu.memref_slice %arg9[%dma_wait3A_564, %dma_wait3A_565] : memref<4x80xi32, #tpu.memory_space<vmem>> -> memref<1x80xi32, #tpu.memory_space<vmem>>
      %dma_wait3A_567 = tpu.memref_squeeze %dma_wait3A_566 : memref<1x80xi32, #tpu.memory_space<vmem>> -> memref<80xi32, #tpu.memory_space<vmem>>
      %dma_wait3A_568 = arith.constant 0 : i32
      %dma_wait3A_569 = arith.constant 0 : i32
      %dma_wait3A_570 = tpu.memref_slice %arg2[%dma_wait3A_568, %dma_wait3A_569] : memref<20000x128xf32, #tpu.memory_space<hbm>> -> memref<20000x128xf32, #tpu.memory_space<hbm>>
      tpu.wait_indirect_dma semaphore(%arg16 : memref<!tpu.dma_semaphore, #tpu.memory_space<semaphore_mem>>) src(%dma_wait3A_570 : memref<20000x128xf32, #tpu.memory_space<hbm>>) dst(%arg11 : memref<80x128xf32, #tpu.memory_space<vmem>>)
      %dma_start3A_571 = arith.constant 1 : i32
      %dma_start3A_572 = arith.constant 0 : i32
      %dma_start3A_573 = tpu.memref_slice %arg9[%dma_start3A_571, %dma_start3A_572] : memref<4x80xi32, #tpu.memory_space<vmem>> -> memref<1x80xi32, #tpu.memory_space<vmem>>
      %dma_start3A_574 = tpu.memref_squeeze %dma_start3A_573 : memref<1x80xi32, #tpu.memory_space<vmem>> -> memref<80xi32, #tpu.memory_space<vmem>>
      %dma_start3A_575 = arith.constant 0 : i32
      %dma_start3A_576 = arith.constant 0 : i32
      %dma_start3A_577 = tpu.memref_slice %arg6[%dma_start3A_575, %dma_start3A_576] : memref<10000x128xf32, #tpu.memory_space<vmem_shared>> -> memref<10000x128xf32, #tpu.memory_space<vmem_shared>>
      tpu.enqueue_indirect_dma source(%arg11 : memref<80x128xf32, #tpu.memory_space<vmem>>) target(%dma_start3A_577 : memref<10000x128xf32, #tpu.memory_space<vmem_shared>>) offsets(%dma_start3A_574 : memref<80xi32, #tpu.memory_space<vmem>>) semaphore(%arg17 : memref<!tpu.dma_semaphore, #tpu.memory_space<semaphore_mem>>) {add = true}
      %dma_start3A_578 = arith.constant 2 : i32
      %dma_start3A_579 = arith.constant 0 : i32
      %dma_start3A_580 = tpu.memref_slice %arg10[%dma_start3A_578, %dma_start3A_579] : memref<4x80xi32, #tpu.memory_space<vmem>> -> memref<1x80xi32, #tpu.memory_space<vmem>>
      %dma_start3A_581 = tpu.memref_squeeze %dma_start3A_580 : memref<1x80xi32, #tpu.memory_space<vmem>> -> memref<80xi32, #tpu.memory_space<vmem>>
      %dma_start3A_582 = arith.constant 0 : i32
      %dma_start3A_583 = arith.constant 0 : i32
      %dma_start3A_584 = tpu.memref_slice %arg2[%dma_start3A_582, %dma_start3A_583] : memref<20000x128xf32, #tpu.memory_space<hbm>> -> memref<20000x128xf32, #tpu.memory_space<hbm>>
      tpu.enqueue_indirect_dma source(%dma_start3A_584 : memref<20000x128xf32, #tpu.memory_space<hbm>>) target(%arg14 : memref<80x128xf32, #tpu.memory_space<vmem>>) offsets(%dma_start3A_581 : memref<80xi32, #tpu.memory_space<vmem>>) semaphore(%arg16 : memref<!tpu.dma_semaphore, #tpu.memory_space<semaphore_mem>>)
      %add3A_585 = arith.constant 4 : i32
      %add3A_586 = arith.addi %add3A_386, %add3A_585 : i32
      %dma_wait3A_587 = arith.constant 1 : i32
      %dma_wait3A_588 = arith.constant 0 : i32
      %dma_wait3A_589 = tpu.memref_slice %arg9[%dma_wait3A_587, %dma_wait3A_588] : memref<4x80xi32, #tpu.memory_space<vmem>> -> memref<1x80xi32, #tpu.memory_space<vmem>>
      %dma_wait3A_590 = tpu.memref_squeeze %dma_wait3A_589 : memref<1x80xi32, #tpu.memory_space<vmem>> -> memref<80xi32, #tpu.memory_space<vmem>>
      %dma_wait3A_591 = arith.constant 0 : i32
      %dma_wait3A_592 = arith.constant 0 : i32
      %dma_wait3A_593 = tpu.memref_slice %arg6[%dma_wait3A_591, %dma_wait3A_592] : memref<10000x128xf32, #tpu.memory_space<vmem_shared>> -> memref<10000x128xf32, #tpu.memory_space<vmem_shared>>
      tpu.wait_indirect_dma semaphore(%arg17 : memref<!tpu.dma_semaphore, #tpu.memory_space<semaphore_mem>>) src(%arg11 : memref<80x128xf32, #tpu.memory_space<vmem>>) dst(%dma_wait3A_593 : memref<10000x128xf32, #tpu.memory_space<vmem_shared>>)
      %dma_wait3A_594 = arith.constant 2 : i32
      %dma_wait3A_595 = arith.constant 0 : i32
      %dma_wait3A_596 = tpu.memref_slice %arg9[%dma_wait3A_594, %dma_wait3A_595] : memref<4x80xi32, #tpu.memory_space<vmem>> -> memref<1x80xi32, #tpu.memory_space<vmem>>
      %dma_wait3A_597 = tpu.memref_squeeze %dma_wait3A_596 : memref<1x80xi32, #tpu.memory_space<vmem>> -> memref<80xi32, #tpu.memory_space<vmem>>
      %dma_wait3A_598 = arith.constant 0 : i32
      %dma_wait3A_599 = arith.constant 0 : i32
      %dma_wait3A_600 = tpu.memref_slice %arg2[%dma_wait3A_598, %dma_wait3A_599] : memref<20000x128xf32, #tpu.memory_space<hbm>> -> memref<20000x128xf32, #tpu.memory_space<hbm>>
      tpu.wait_indirect_dma semaphore(%arg16 : memref<!tpu.dma_semaphore, #tpu.memory_space<semaphore_mem>>) src(%dma_wait3A_600 : memref<20000x128xf32, #tpu.memory_space<hbm>>) dst(%arg12 : memref<80x128xf32, #tpu.memory_space<vmem>>)
      %dma_start3A_601 = arith.constant 3 : i32
      %dma_start3A_602 = arith.constant 0 : i32
      %dma_start3A_603 = tpu.memref_slice %arg9[%dma_start3A_601, %dma_start3A_602] : memref<4x80xi32, #tpu.memory_space<vmem>> -> memref<1x80xi32, #tpu.memory_space<vmem>>
      %dma_start3A_604 = tpu.memref_squeeze %dma_start3A_603 : memref<1x80xi32, #tpu.memory_space<vmem>> -> memref<80xi32, #tpu.memory_space<vmem>>
      %dma_start3A_605 = arith.constant 0 : i32
      %dma_start3A_606 = arith.constant 0 : i32
      %dma_start3A_607 = tpu.memref_slice %arg6[%dma_start3A_605, %dma_start3A_606] : memref<10000x128xf32, #tpu.memory_space<vmem_shared>> -> memref<10000x128xf32, #tpu.memory_space<vmem_shared>>
      tpu.enqueue_indirect_dma source(%arg12 : memref<80x128xf32, #tpu.memory_space<vmem>>) target(%dma_start3A_607 : memref<10000x128xf32, #tpu.memory_space<vmem_shared>>) offsets(%dma_start3A_604 : memref<80xi32, #tpu.memory_space<vmem>>) semaphore(%arg17 : memref<!tpu.dma_semaphore, #tpu.memory_space<semaphore_mem>>) {add = true}
      %dma_wait3A_608 = arith.constant 0 : i32
      %dma_wait3A_609 = arith.constant 0 : i32
      %dma_wait3A_610 = arith.constant 0 : i32
      %dma_wait3A_611 = tpu.memref_slice %arg3[%add3A, %dma_wait3A_608, %dma_wait3A_609, %dma_wait3A_610] : memref<32x125x4x80xi32, #tpu.memory_space<hbm>> -> memref<1x1x4x80xi32, #tpu.memory_space<hbm>>
      %dma_wait3A_612 = tpu.memref_squeeze %dma_wait3A_611 : memref<1x1x4x80xi32, #tpu.memory_space<hbm>> -> memref<4x80xi32, #tpu.memory_space<hbm>>
      %dma_wait3A_613 = arith.constant 0 : i32
      %dma_wait3A_614 = arith.constant 0 : i32
      %dma_wait3A_615 = tpu.memref_slice %arg3[%add3A, %dma_wait3A_608, %dma_wait3A_613, %dma_wait3A_614] : memref<32x125x4x80xi32, #tpu.memory_space<hbm>> -> memref<1x1x4x80xi32, #tpu.memory_space<hbm>>
      %dma_wait3A_616 = tpu.memref_squeeze %dma_wait3A_615 : memref<1x1x4x80xi32, #tpu.memory_space<hbm>> -> memref<4x80xi32, #tpu.memory_space<hbm>>
      tpu.wait_dma2 semaphore(%arg15 : memref<!tpu.dma_semaphore, #tpu.memory_space<semaphore_mem>>) src(%dma_wait3A_616 : memref<4x80xi32, #tpu.memory_space<hbm>>) dst(%arg7 : memref<4x80xi32, #tpu.memory_space<vmem>>)
      %dma_start3A_617 = arith.constant 0 : i32
      %dma_start3A_618 = arith.constant 0 : i32
      %dma_start3A_619 = tpu.memref_slice %arg7[%dma_start3A_617, %dma_start3A_618] : memref<4x80xi32, #tpu.memory_space<vmem>> -> memref<1x80xi32, #tpu.memory_space<vmem>>
      %dma_start3A_620 = tpu.memref_squeeze %dma_start3A_619 : memref<1x80xi32, #tpu.memory_space<vmem>> -> memref<80xi32, #tpu.memory_space<vmem>>
      %dma_start3A_621 = arith.constant 0 : i32
      %dma_start3A_622 = arith.constant 0 : i32
      %dma_start3A_623 = tpu.memref_slice %arg2[%dma_start3A_621, %dma_start3A_622] : memref<20000x128xf32, #tpu.memory_space<hbm>> -> memref<20000x128xf32, #tpu.memory_space<hbm>>
      tpu.enqueue_indirect_dma source(%dma_start3A_623 : memref<20000x128xf32, #tpu.memory_space<hbm>>) target(%arg11 : memref<80x128xf32, #tpu.memory_space<vmem>>) offsets(%dma_start3A_620 : memref<80xi32, #tpu.memory_space<vmem>>) semaphore(%arg16 : memref<!tpu.dma_semaphore, #tpu.memory_space<semaphore_mem>>)
      %add3A_624 = arith.constant 5 : i32
      %add3A_625 = arith.addi %add3A_386, %add3A_624 : i32
      %dma_wait3A_626 = arith.constant 3 : i32
      %dma_wait3A_627 = arith.constant 0 : i32
      %dma_wait3A_628 = tpu.memref_slice %arg9[%dma_wait3A_626, %dma_wait3A_627] : memref<4x80xi32, #tpu.memory_space<vmem>> -> memref<1x80xi32, #tpu.memory_space<vmem>>
      %dma_wait3A_629 = tpu.memref_squeeze %dma_wait3A_628 : memref<1x80xi32, #tpu.memory_space<vmem>> -> memref<80xi32, #tpu.memory_space<vmem>>
      %dma_wait3A_630 = arith.constant 0 : i32
      %dma_wait3A_631 = arith.constant 0 : i32
      %dma_wait3A_632 = tpu.memref_slice %arg6[%dma_wait3A_630, %dma_wait3A_631] : memref<10000x128xf32, #tpu.memory_space<vmem_shared>> -> memref<10000x128xf32, #tpu.memory_space<vmem_shared>>
      tpu.wait_indirect_dma semaphore(%arg17 : memref<!tpu.dma_semaphore, #tpu.memory_space<semaphore_mem>>) src(%arg12 : memref<80x128xf32, #tpu.memory_space<vmem>>) dst(%dma_wait3A_632 : memref<10000x128xf32, #tpu.memory_space<vmem_shared>>)
      %add3A_633 = arith.constant 4 : i32
      %add3A_634 = arith.addi %add3A_625, %add3A_633 : i32
      %jit3A_635 = arith.constant 2 : i32
      %div3A_636 = arith.divsi %add3A_634, %jit3A_635 : i32
      %sign3A_637 = arith.constant 0 : i32
      %sign3A_638 = arith.cmpi sgt, %add3A_634, %sign3A_637 : i32
      %sign3A_639 = arith.extui %sign3A_638 : i1 to i32
      %sign3A_640 = arith.constant 0 : i32
      %sign3A_641 = arith.cmpi slt, %add3A_634, %sign3A_640 : i32
      %sign3A_642 = arith.extui %sign3A_641 : i1 to i32
      %sign3A_643 = arith.subi %sign3A_639, %sign3A_642 : i32
      %sign3A_644 = arith.constant 0 : i32
      %sign3A_645 = arith.cmpi sgt, %jit3A_635, %sign3A_644 : i32
      %sign3A_646 = arith.extui %sign3A_645 : i1 to i32
      %sign3A_647 = arith.constant 0 : i32
      %sign3A_648 = arith.cmpi slt, %jit3A_635, %sign3A_647 : i32
      %sign3A_649 = arith.extui %sign3A_648 : i1 to i32
      %sign3A_650 = arith.subi %sign3A_646, %sign3A_649 : i32
      %ne3A_651 = arith.cmpi ne, %sign3A_643, %sign3A_650 : i32
      %rem3A_652 = arith.remsi %add3A_634, %jit3A_635 : i32
      %ne3A_653 = arith.constant 0 : i32
      %ne3A_654 = arith.cmpi ne, %rem3A_652, %ne3A_653 : i32
      %and3A_655 = arith.andi %ne3A_651, %ne3A_654 : i1
      %sub3A_656 = arith.constant 1 : i32
      %sub3A_657 = arith.subi %div3A_636, %sub3A_656 : i32
      %select_n3A_658 = arith.select %and3A_655, %sub3A_657, %div3A_636 : i32
      %dma_start3A_659 = arith.constant 0 : i32
      %dma_start3A_660 = arith.constant 0 : i32
      %dma_start3A_661 = tpu.memref_slice %arg3[%add3A, %select_n3A_658, %dma_start3A_659, %dma_start3A_660] : memref<32x125x4x80xi32, #tpu.memory_space<hbm>> -> memref<1x1x4x80xi32, #tpu.memory_space<hbm>>
      %dma_start3A_662 = tpu.memref_squeeze %dma_start3A_661 : memref<1x1x4x80xi32, #tpu.memory_space<hbm>> -> memref<4x80xi32, #tpu.memory_space<hbm>>
      %dma_start3A_663 = arith.constant 0 : i32
      %dma_start3A_664 = arith.constant 0 : i32
      %dma_start3A_665 = tpu.memref_slice %arg3[%add3A, %select_n3A_658, %dma_start3A_663, %dma_start3A_664] : memref<32x125x4x80xi32, #tpu.memory_space<hbm>> -> memref<1x1x4x80xi32, #tpu.memory_space<hbm>>
      %dma_start3A_666 = tpu.memref_squeeze %dma_start3A_665 : memref<1x1x4x80xi32, #tpu.memory_space<hbm>> -> memref<4x80xi32, #tpu.memory_space<hbm>>
      tpu.enqueue_dma source(%dma_start3A_666 : memref<4x80xi32, #tpu.memory_space<hbm>>) target(%arg8 : memref<4x80xi32, #tpu.memory_space<vmem>>) target_semaphore(%arg15 : memref<!tpu.dma_semaphore, #tpu.memory_space<semaphore_mem>>)
      %dma_wait3A_667 = arith.constant 0 : i32
      %dma_wait3A_668 = arith.constant 0 : i32
      %dma_wait3A_669 = tpu.memref_slice %arg10[%dma_wait3A_667, %dma_wait3A_668] : memref<4x80xi32, #tpu.memory_space<vmem>> -> memref<1x80xi32, #tpu.memory_space<vmem>>
      %dma_wait3A_670 = tpu.memref_squeeze %dma_wait3A_669 : memref<1x80xi32, #tpu.memory_space<vmem>> -> memref<80xi32, #tpu.memory_space<vmem>>
      %dma_wait3A_671 = arith.constant 0 : i32
      %dma_wait3A_672 = arith.constant 0 : i32
      %dma_wait3A_673 = tpu.memref_slice %arg2[%dma_wait3A_671, %dma_wait3A_672] : memref<20000x128xf32, #tpu.memory_space<hbm>> -> memref<20000x128xf32, #tpu.memory_space<hbm>>
      tpu.wait_indirect_dma semaphore(%arg16 : memref<!tpu.dma_semaphore, #tpu.memory_space<semaphore_mem>>) src(%dma_wait3A_673 : memref<20000x128xf32, #tpu.memory_space<hbm>>) dst(%arg13 : memref<80x128xf32, #tpu.memory_space<vmem>>)
      %dma_start3A_674 = arith.constant 1 : i32
      %dma_start3A_675 = arith.constant 0 : i32
      %dma_start3A_676 = tpu.memref_slice %arg10[%dma_start3A_674, %dma_start3A_675] : memref<4x80xi32, #tpu.memory_space<vmem>> -> memref<1x80xi32, #tpu.memory_space<vmem>>
      %dma_start3A_677 = tpu.memref_squeeze %dma_start3A_676 : memref<1x80xi32, #tpu.memory_space<vmem>> -> memref<80xi32, #tpu.memory_space<vmem>>
      %dma_start3A_678 = arith.constant 0 : i32
      %dma_start3A_679 = arith.constant 0 : i32
      %dma_start3A_680 = tpu.memref_slice %arg6[%dma_start3A_678, %dma_start3A_679] : memref<10000x128xf32, #tpu.memory_space<vmem_shared>> -> memref<10000x128xf32, #tpu.memory_space<vmem_shared>>
      tpu.enqueue_indirect_dma source(%arg13 : memref<80x128xf32, #tpu.memory_space<vmem>>) target(%dma_start3A_680 : memref<10000x128xf32, #tpu.memory_space<vmem_shared>>) offsets(%dma_start3A_677 : memref<80xi32, #tpu.memory_space<vmem>>) semaphore(%arg17 : memref<!tpu.dma_semaphore, #tpu.memory_space<semaphore_mem>>) {add = true}
      %dma_start3A_681 = arith.constant 2 : i32
      %dma_start3A_682 = arith.constant 0 : i32
      %dma_start3A_683 = tpu.memref_slice %arg7[%dma_start3A_681, %dma_start3A_682] : memref<4x80xi32, #tpu.memory_space<vmem>> -> memref<1x80xi32, #tpu.memory_space<vmem>>
      %dma_start3A_684 = tpu.memref_squeeze %dma_start3A_683 : memref<1x80xi32, #tpu.memory_space<vmem>> -> memref<80xi32, #tpu.memory_space<vmem>>
      %dma_start3A_685 = arith.constant 0 : i32
      %dma_start3A_686 = arith.constant 0 : i32
      %dma_start3A_687 = tpu.memref_slice %arg2[%dma_start3A_685, %dma_start3A_686] : memref<20000x128xf32, #tpu.memory_space<hbm>> -> memref<20000x128xf32, #tpu.memory_space<hbm>>
      tpu.enqueue_indirect_dma source(%dma_start3A_687 : memref<20000x128xf32, #tpu.memory_space<hbm>>) target(%arg12 : memref<80x128xf32, #tpu.memory_space<vmem>>) offsets(%dma_start3A_684 : memref<80xi32, #tpu.memory_space<vmem>>) semaphore(%arg16 : memref<!tpu.dma_semaphore, #tpu.memory_space<semaphore_mem>>)
      %add3A_688 = arith.constant 6 : i32
      %add3A_689 = arith.addi %add3A_386, %add3A_688 : i32
      %dma_wait3A_690 = arith.constant 1 : i32
      %dma_wait3A_691 = arith.constant 0 : i32
      %dma_wait3A_692 = tpu.memref_slice %arg10[%dma_wait3A_690, %dma_wait3A_691] : memref<4x80xi32, #tpu.memory_space<vmem>> -> memref<1x80xi32, #tpu.memory_space<vmem>>
      %dma_wait3A_693 = tpu.memref_squeeze %dma_wait3A_692 : memref<1x80xi32, #tpu.memory_space<vmem>> -> memref<80xi32, #tpu.memory_space<vmem>>
      %dma_wait3A_694 = arith.constant 0 : i32
      %dma_wait3A_695 = arith.constant 0 : i32
      %dma_wait3A_696 = tpu.memref_slice %arg6[%dma_wait3A_694, %dma_wait3A_695] : memref<10000x128xf32, #tpu.memory_space<vmem_shared>> -> memref<10000x128xf32, #tpu.memory_space<vmem_shared>>
      tpu.wait_indirect_dma semaphore(%arg17 : memref<!tpu.dma_semaphore, #tpu.memory_space<semaphore_mem>>) src(%arg13 : memref<80x128xf32, #tpu.memory_space<vmem>>) dst(%dma_wait3A_696 : memref<10000x128xf32, #tpu.memory_space<vmem_shared>>)
      %dma_wait3A_697 = arith.constant 2 : i32
      %dma_wait3A_698 = arith.constant 0 : i32
      %dma_wait3A_699 = tpu.memref_slice %arg10[%dma_wait3A_697, %dma_wait3A_698] : memref<4x80xi32, #tpu.memory_space<vmem>> -> memref<1x80xi32, #tpu.memory_space<vmem>>
      %dma_wait3A_700 = tpu.memref_squeeze %dma_wait3A_699 : memref<1x80xi32, #tpu.memory_space<vmem>> -> memref<80xi32, #tpu.memory_space<vmem>>
      %dma_wait3A_701 = arith.constant 0 : i32
      %dma_wait3A_702 = arith.constant 0 : i32
      %dma_wait3A_703 = tpu.memref_slice %arg2[%dma_wait3A_701, %dma_wait3A_702] : memref<20000x128xf32, #tpu.memory_space<hbm>> -> memref<20000x128xf32, #tpu.memory_space<hbm>>
      tpu.wait_indirect_dma semaphore(%arg16 : memref<!tpu.dma_semaphore, #tpu.memory_space<semaphore_mem>>) src(%dma_wait3A_703 : memref<20000x128xf32, #tpu.memory_space<hbm>>) dst(%arg14 : memref<80x128xf32, #tpu.memory_space<vmem>>)
      %dma_start3A_704 = arith.constant 3 : i32
      %dma_start3A_705 = arith.constant 0 : i32
      %dma_start3A_706 = tpu.memref_slice %arg10[%dma_start3A_704, %dma_start3A_705] : memref<4x80xi32, #tpu.memory_space<vmem>> -> memref<1x80xi32, #tpu.memory_space<vmem>>
      %dma_start3A_707 = tpu.memref_squeeze %dma_start3A_706 : memref<1x80xi32, #tpu.memory_space<vmem>> -> memref<80xi32, #tpu.memory_space<vmem>>
      %dma_start3A_708 = arith.constant 0 : i32
      %dma_start3A_709 = arith.constant 0 : i32
      %dma_start3A_710 = tpu.memref_slice %arg6[%dma_start3A_708, %dma_start3A_709] : memref<10000x128xf32, #tpu.memory_space<vmem_shared>> -> memref<10000x128xf32, #tpu.memory_space<vmem_shared>>
      tpu.enqueue_indirect_dma source(%arg14 : memref<80x128xf32, #tpu.memory_space<vmem>>) target(%dma_start3A_710 : memref<10000x128xf32, #tpu.memory_space<vmem_shared>>) offsets(%dma_start3A_707 : memref<80xi32, #tpu.memory_space<vmem>>) semaphore(%arg17 : memref<!tpu.dma_semaphore, #tpu.memory_space<semaphore_mem>>) {add = true}
      %dma_wait3A_711 = arith.constant 0 : i32
      %dma_wait3A_712 = arith.constant 0 : i32
      %dma_wait3A_713 = arith.constant 0 : i32
      %dma_wait3A_714 = tpu.memref_slice %arg3[%add3A, %dma_wait3A_711, %dma_wait3A_712, %dma_wait3A_713] : memref<32x125x4x80xi32, #tpu.memory_space<hbm>> -> memref<1x1x4x80xi32, #tpu.memory_space<hbm>>
      %dma_wait3A_715 = tpu.memref_squeeze %dma_wait3A_714 : memref<1x1x4x80xi32, #tpu.memory_space<hbm>> -> memref<4x80xi32, #tpu.memory_space<hbm>>
      %dma_wait3A_716 = arith.constant 0 : i32
      %dma_wait3A_717 = arith.constant 0 : i32
      %dma_wait3A_718 = tpu.memref_slice %arg3[%add3A, %dma_wait3A_711, %dma_wait3A_716, %dma_wait3A_717] : memref<32x125x4x80xi32, #tpu.memory_space<hbm>> -> memref<1x1x4x80xi32, #tpu.memory_space<hbm>>
      %dma_wait3A_719 = tpu.memref_squeeze %dma_wait3A_718 : memref<1x1x4x80xi32, #tpu.memory_space<hbm>> -> memref<4x80xi32, #tpu.memory_space<hbm>>
      tpu.wait_dma2 semaphore(%arg15 : memref<!tpu.dma_semaphore, #tpu.memory_space<semaphore_mem>>) src(%dma_wait3A_719 : memref<4x80xi32, #tpu.memory_space<hbm>>) dst(%arg8 : memref<4x80xi32, #tpu.memory_space<vmem>>)
      %dma_start3A_720 = arith.constant 0 : i32
      %dma_start3A_721 = arith.constant 0 : i32
      %dma_start3A_722 = tpu.memref_slice %arg8[%dma_start3A_720, %dma_start3A_721] : memref<4x80xi32, #tpu.memory_space<vmem>> -> memref<1x80xi32, #tpu.memory_space<vmem>>
      %dma_start3A_723 = tpu.memref_squeeze %dma_start3A_722 : memref<1x80xi32, #tpu.memory_space<vmem>> -> memref<80xi32, #tpu.memory_space<vmem>>
      %dma_start3A_724 = arith.constant 0 : i32
      %dma_start3A_725 = arith.constant 0 : i32
      %dma_start3A_726 = tpu.memref_slice %arg2[%dma_start3A_724, %dma_start3A_725] : memref<20000x128xf32, #tpu.memory_space<hbm>> -> memref<20000x128xf32, #tpu.memory_space<hbm>>
      tpu.enqueue_indirect_dma source(%dma_start3A_726 : memref<20000x128xf32, #tpu.memory_space<hbm>>) target(%arg13 : memref<80x128xf32, #tpu.memory_space<vmem>>) offsets(%dma_start3A_723 : memref<80xi32, #tpu.memory_space<vmem>>) semaphore(%arg16 : memref<!tpu.dma_semaphore, #tpu.memory_space<semaphore_mem>>)
      %add3A_727 = arith.constant 7 : i32
      %add3A_728 = arith.addi %add3A_386, %add3A_727 : i32
      %dma_wait3A_729 = arith.constant 3 : i32
      %dma_wait3A_730 = arith.constant 0 : i32
      %dma_wait3A_731 = tpu.memref_slice %arg10[%dma_wait3A_729, %dma_wait3A_730] : memref<4x80xi32, #tpu.memory_space<vmem>> -> memref<1x80xi32, #tpu.memory_space<vmem>>
      %dma_wait3A_732 = tpu.memref_squeeze %dma_wait3A_731 : memref<1x80xi32, #tpu.memory_space<vmem>> -> memref<80xi32, #tpu.memory_space<vmem>>
      %dma_wait3A_733 = arith.constant 0 : i32
      %dma_wait3A_734 = arith.constant 0 : i32
      %dma_wait3A_735 = tpu.memref_slice %arg6[%dma_wait3A_733, %dma_wait3A_734] : memref<10000x128xf32, #tpu.memory_space<vmem_shared>> -> memref<10000x128xf32, #tpu.memory_space<vmem_shared>>
      tpu.wait_indirect_dma semaphore(%arg17 : memref<!tpu.dma_semaphore, #tpu.memory_space<semaphore_mem>>) src(%arg14 : memref<80x128xf32, #tpu.memory_space<vmem>>) dst(%dma_wait3A_735 : memref<10000x128xf32, #tpu.memory_space<vmem_shared>>)
      %add3A_736 = arith.constant 4 : i32
      %add3A_737 = arith.addi %add3A_728, %add3A_736 : i32
      %jit3A_738 = arith.constant 2 : i32
      %div3A_739 = arith.divsi %add3A_737, %jit3A_738 : i32
      %sign3A_740 = arith.constant 0 : i32
      %sign3A_741 = arith.cmpi sgt, %add3A_737, %sign3A_740 : i32
      %sign3A_742 = arith.extui %sign3A_741 : i1 to i32
      %sign3A_743 = arith.constant 0 : i32
      %sign3A_744 = arith.cmpi slt, %add3A_737, %sign3A_743 : i32
      %sign3A_745 = arith.extui %sign3A_744 : i1 to i32
      %sign3A_746 = arith.subi %sign3A_742, %sign3A_745 : i32
      %sign3A_747 = arith.constant 0 : i32
      %sign3A_748 = arith.cmpi sgt, %jit3A_738, %sign3A_747 : i32
      %sign3A_749 = arith.extui %sign3A_748 : i1 to i32
      %sign3A_750 = arith.constant 0 : i32
      %sign3A_751 = arith.cmpi slt, %jit3A_738, %sign3A_750 : i32
      %sign3A_752 = arith.extui %sign3A_751 : i1 to i32
      %sign3A_753 = arith.subi %sign3A_749, %sign3A_752 : i32
      %ne3A_754 = arith.cmpi ne, %sign3A_746, %sign3A_753 : i32
      %rem3A_755 = arith.remsi %add3A_737, %jit3A_738 : i32
      %ne3A_756 = arith.constant 0 : i32
      %ne3A_757 = arith.cmpi ne, %rem3A_755, %ne3A_756 : i32
      %and3A_758 = arith.andi %ne3A_754, %ne3A_757 : i1
      %sub3A_759 = arith.constant 1 : i32
      %sub3A_760 = arith.subi %div3A_739, %sub3A_759 : i32
      %select_n3A_761 = arith.select %and3A_758, %sub3A_760, %div3A_739 : i32
      %dma_start3A_762 = arith.constant 0 : i32
      %dma_start3A_763 = arith.constant 0 : i32
      %dma_start3A_764 = tpu.memref_slice %arg3[%add3A, %select_n3A_761, %dma_start3A_762, %dma_start3A_763] : memref<32x125x4x80xi32, #tpu.memory_space<hbm>> -> memref<1x1x4x80xi32, #tpu.memory_space<hbm>>
      %dma_start3A_765 = tpu.memref_squeeze %dma_start3A_764 : memref<1x1x4x80xi32, #tpu.memory_space<hbm>> -> memref<4x80xi32, #tpu.memory_space<hbm>>
      %dma_start3A_766 = arith.constant 0 : i32
      %dma_start3A_767 = arith.constant 0 : i32
      %dma_start3A_768 = tpu.memref_slice %arg3[%add3A, %select_n3A_761, %dma_start3A_766, %dma_start3A_767] : memref<32x125x4x80xi32, #tpu.memory_space<hbm>> -> memref<1x1x4x80xi32, #tpu.memory_space<hbm>>
      %dma_start3A_769 = tpu.memref_squeeze %dma_start3A_768 : memref<1x1x4x80xi32, #tpu.memory_space<hbm>> -> memref<4x80xi32, #tpu.memory_space<hbm>>
      tpu.enqueue_dma source(%dma_start3A_769 : memref<4x80xi32, #tpu.memory_space<hbm>>) target(%arg9 : memref<4x80xi32, #tpu.memory_space<vmem>>) target_semaphore(%arg15 : memref<!tpu.dma_semaphore, #tpu.memory_space<semaphore_mem>>)
      %dma_wait3A_770 = arith.constant 0 : i32
      %dma_wait3A_771 = arith.constant 0 : i32
      %dma_wait3A_772 = tpu.memref_slice %arg7[%dma_wait3A_770, %dma_wait3A_771] : memref<4x80xi32, #tpu.memory_space<vmem>> -> memref<1x80xi32, #tpu.memory_space<vmem>>
      %dma_wait3A_773 = tpu.memref_squeeze %dma_wait3A_772 : memref<1x80xi32, #tpu.memory_space<vmem>> -> memref<80xi32, #tpu.memory_space<vmem>>
      %dma_wait3A_774 = arith.constant 0 : i32
      %dma_wait3A_775 = arith.constant 0 : i32
      %dma_wait3A_776 = tpu.memref_slice %arg2[%dma_wait3A_774, %dma_wait3A_775] : memref<20000x128xf32, #tpu.memory_space<hbm>> -> memref<20000x128xf32, #tpu.memory_space<hbm>>
      tpu.wait_indirect_dma semaphore(%arg16 : memref<!tpu.dma_semaphore, #tpu.memory_space<semaphore_mem>>) src(%dma_wait3A_776 : memref<20000x128xf32, #tpu.memory_space<hbm>>) dst(%arg11 : memref<80x128xf32, #tpu.memory_space<vmem>>)
      %dma_start3A_777 = arith.constant 1 : i32
      %dma_start3A_778 = arith.constant 0 : i32
      %dma_start3A_779 = tpu.memref_slice %arg7[%dma_start3A_777, %dma_start3A_778] : memref<4x80xi32, #tpu.memory_space<vmem>> -> memref<1x80xi32, #tpu.memory_space<vmem>>
      %dma_start3A_780 = tpu.memref_squeeze %dma_start3A_779 : memref<1x80xi32, #tpu.memory_space<vmem>> -> memref<80xi32, #tpu.memory_space<vmem>>
      %dma_start3A_781 = arith.constant 0 : i32
      %dma_start3A_782 = arith.constant 0 : i32
      %dma_start3A_783 = tpu.memref_slice %arg6[%dma_start3A_781, %dma_start3A_782] : memref<10000x128xf32, #tpu.memory_space<vmem_shared>> -> memref<10000x128xf32, #tpu.memory_space<vmem_shared>>
      tpu.enqueue_indirect_dma source(%arg11 : memref<80x128xf32, #tpu.memory_space<vmem>>) target(%dma_start3A_783 : memref<10000x128xf32, #tpu.memory_space<vmem_shared>>) offsets(%dma_start3A_780 : memref<80xi32, #tpu.memory_space<vmem>>) semaphore(%arg17 : memref<!tpu.dma_semaphore, #tpu.memory_space<semaphore_mem>>) {add = true}
      %dma_start3A_784 = arith.constant 2 : i32
      %dma_start3A_785 = arith.constant 0 : i32
      %dma_start3A_786 = tpu.memref_slice %arg8[%dma_start3A_784, %dma_start3A_785] : memref<4x80xi32, #tpu.memory_space<vmem>> -> memref<1x80xi32, #tpu.memory_space<vmem>>
      %dma_start3A_787 = tpu.memref_squeeze %dma_start3A_786 : memref<1x80xi32, #tpu.memory_space<vmem>> -> memref<80xi32, #tpu.memory_space<vmem>>
      %dma_start3A_788 = arith.constant 0 : i32
      %dma_start3A_789 = arith.constant 0 : i32
      %dma_start3A_790 = tpu.memref_slice %arg2[%dma_start3A_788, %dma_start3A_789] : memref<20000x128xf32, #tpu.memory_space<hbm>> -> memref<20000x128xf32, #tpu.memory_space<hbm>>
      tpu.enqueue_indirect_dma source(%dma_start3A_790 : memref<20000x128xf32, #tpu.memory_space<hbm>>) target(%arg14 : memref<80x128xf32, #tpu.memory_space<vmem>>) offsets(%dma_start3A_787 : memref<80xi32, #tpu.memory_space<vmem>>) semaphore(%arg16 : memref<!tpu.dma_semaphore, #tpu.memory_space<semaphore_mem>>)
    }
    %scan3A_91 = arith.constant 30 : i32
    %dma_wait3A_92 = arith.constant 1 : i32
    %dma_wait3A_93 = arith.constant 0 : i32
    %dma_wait3A_94 = tpu.memref_slice %arg7[%dma_wait3A_92, %dma_wait3A_93] : memref<4x80xi32, #tpu.memory_space<vmem>> -> memref<1x80xi32, #tpu.memory_space<vmem>>
    %dma_wait3A_95 = tpu.memref_squeeze %dma_wait3A_94 : memref<1x80xi32, #tpu.memory_space<vmem>> -> memref<80xi32, #tpu.memory_space<vmem>>
    %dma_wait3A_96 = arith.constant 0 : i32
    %dma_wait3A_97 = arith.constant 0 : i32
    %dma_wait3A_98 = tpu.memref_slice %arg6[%dma_wait3A_96, %dma_wait3A_97] : memref<10000x128xf32, #tpu.memory_space<vmem_shared>> -> memref<10000x128xf32, #tpu.memory_space<vmem_shared>>
    tpu.wait_indirect_dma semaphore(%arg17 : memref<!tpu.dma_semaphore, #tpu.memory_space<semaphore_mem>>) src(%arg11 : memref<80x128xf32, #tpu.memory_space<vmem>>) dst(%dma_wait3A_98 : memref<10000x128xf32, #tpu.memory_space<vmem_shared>>)
    %dma_wait3A_99 = arith.constant 2 : i32
    %dma_wait3A_100 = arith.constant 0 : i32
    %dma_wait3A_101 = tpu.memref_slice %arg7[%dma_wait3A_99, %dma_wait3A_100] : memref<4x80xi32, #tpu.memory_space<vmem>> -> memref<1x80xi32, #tpu.memory_space<vmem>>
    %dma_wait3A_102 = tpu.memref_squeeze %dma_wait3A_101 : memref<1x80xi32, #tpu.memory_space<vmem>> -> memref<80xi32, #tpu.memory_space<vmem>>
    %dma_wait3A_103 = arith.constant 0 : i32
    %dma_wait3A_104 = arith.constant 0 : i32
    %dma_wait3A_105 = tpu.memref_slice %arg2[%dma_wait3A_103, %dma_wait3A_104] : memref<20000x128xf32, #tpu.memory_space<hbm>> -> memref<20000x128xf32, #tpu.memory_space<hbm>>
    tpu.wait_indirect_dma semaphore(%arg16 : memref<!tpu.dma_semaphore, #tpu.memory_space<semaphore_mem>>) src(%dma_wait3A_105 : memref<20000x128xf32, #tpu.memory_space<hbm>>) dst(%arg12 : memref<80x128xf32, #tpu.memory_space<vmem>>)
    %dma_start3A_106 = arith.constant 3 : i32
    %dma_start3A_107 = arith.constant 0 : i32
    %dma_start3A_108 = tpu.memref_slice %arg7[%dma_start3A_106, %dma_start3A_107] : memref<4x80xi32, #tpu.memory_space<vmem>> -> memref<1x80xi32, #tpu.memory_space<vmem>>
    %dma_start3A_109 = tpu.memref_squeeze %dma_start3A_108 : memref<1x80xi32, #tpu.memory_space<vmem>> -> memref<80xi32, #tpu.memory_space<vmem>>
    %dma_start3A_110 = arith.constant 0 : i32
    %dma_start3A_111 = arith.constant 0 : i32
    %dma_start3A_112 = tpu.memref_slice %arg6[%dma_start3A_110, %dma_start3A_111] : memref<10000x128xf32, #tpu.memory_space<vmem_shared>> -> memref<10000x128xf32, #tpu.memory_space<vmem_shared>>
    tpu.enqueue_indirect_dma source(%arg12 : memref<80x128xf32, #tpu.memory_space<vmem>>) target(%dma_start3A_112 : memref<10000x128xf32, #tpu.memory_space<vmem_shared>>) offsets(%dma_start3A_109 : memref<80xi32, #tpu.memory_space<vmem>>) semaphore(%arg17 : memref<!tpu.dma_semaphore, #tpu.memory_space<semaphore_mem>>) {add = true}
    %dma_wait3A_113 = arith.constant 0 : i32
    %dma_wait3A_114 = arith.constant 0 : i32
    %dma_wait3A_115 = arith.constant 0 : i32
    %dma_wait3A_116 = tpu.memref_slice %arg3[%add3A, %dma_wait3A_113, %dma_wait3A_114, %dma_wait3A_115] : memref<32x125x4x80xi32, #tpu.memory_space<hbm>> -> memref<1x1x4x80xi32, #tpu.memory_space<hbm>>
    %dma_wait3A_117 = tpu.memref_squeeze %dma_wait3A_116 : memref<1x1x4x80xi32, #tpu.memory_space<hbm>> -> memref<4x80xi32, #tpu.memory_space<hbm>>
    %dma_wait3A_118 = arith.constant 0 : i32
    %dma_wait3A_119 = arith.constant 0 : i32
    %dma_wait3A_120 = tpu.memref_slice %arg3[%add3A, %dma_wait3A_113, %dma_wait3A_118, %dma_wait3A_119] : memref<32x125x4x80xi32, #tpu.memory_space<hbm>> -> memref<1x1x4x80xi32, #tpu.memory_space<hbm>>
    %dma_wait3A_121 = tpu.memref_squeeze %dma_wait3A_120 : memref<1x1x4x80xi32, #tpu.memory_space<hbm>> -> memref<4x80xi32, #tpu.memory_space<hbm>>
    tpu.wait_dma2 semaphore(%arg15 : memref<!tpu.dma_semaphore, #tpu.memory_space<semaphore_mem>>) src(%dma_wait3A_121 : memref<4x80xi32, #tpu.memory_space<hbm>>) dst(%arg9 : memref<4x80xi32, #tpu.memory_space<vmem>>)
    %dma_start3A_122 = arith.constant 0 : i32
    %dma_start3A_123 = arith.constant 0 : i32
    %dma_start3A_124 = tpu.memref_slice %arg9[%dma_start3A_122, %dma_start3A_123] : memref<4x80xi32, #tpu.memory_space<vmem>> -> memref<1x80xi32, #tpu.memory_space<vmem>>
    %dma_start3A_125 = tpu.memref_squeeze %dma_start3A_124 : memref<1x80xi32, #tpu.memory_space<vmem>> -> memref<80xi32, #tpu.memory_space<vmem>>
    %dma_start3A_126 = arith.constant 0 : i32
    %dma_start3A_127 = arith.constant 0 : i32
    %dma_start3A_128 = tpu.memref_slice %arg2[%dma_start3A_126, %dma_start3A_127] : memref<20000x128xf32, #tpu.memory_space<hbm>> -> memref<20000x128xf32, #tpu.memory_space<hbm>>
    tpu.enqueue_indirect_dma source(%dma_start3A_128 : memref<20000x128xf32, #tpu.memory_space<hbm>>) target(%arg11 : memref<80x128xf32, #tpu.memory_space<vmem>>) offsets(%dma_start3A_125 : memref<80xi32, #tpu.memory_space<vmem>>) semaphore(%arg16 : memref<!tpu.dma_semaphore, #tpu.memory_space<semaphore_mem>>)
    %dma_wait3A_129 = arith.constant 3 : i32
    %dma_wait3A_130 = arith.constant 0 : i32
    %dma_wait3A_131 = tpu.memref_slice %arg7[%dma_wait3A_129, %dma_wait3A_130] : memref<4x80xi32, #tpu.memory_space<vmem>> -> memref<1x80xi32, #tpu.memory_space<vmem>>
    %dma_wait3A_132 = tpu.memref_squeeze %dma_wait3A_131 : memref<1x80xi32, #tpu.memory_space<vmem>> -> memref<80xi32, #tpu.memory_space<vmem>>
    %dma_wait3A_133 = arith.constant 0 : i32
    %dma_wait3A_134 = arith.constant 0 : i32
    %dma_wait3A_135 = tpu.memref_slice %arg6[%dma_wait3A_133, %dma_wait3A_134] : memref<10000x128xf32, #tpu.memory_space<vmem_shared>> -> memref<10000x128xf32, #tpu.memory_space<vmem_shared>>
    tpu.wait_indirect_dma semaphore(%arg17 : memref<!tpu.dma_semaphore, #tpu.memory_space<semaphore_mem>>) src(%arg12 : memref<80x128xf32, #tpu.memory_space<vmem>>) dst(%dma_wait3A_135 : memref<10000x128xf32, #tpu.memory_space<vmem_shared>>)
    %dma_start3A_136 = arith.constant 123 : i32
    %dma_start3A_137 = arith.constant 0 : i32
    %dma_start3A_138 = arith.constant 0 : i32
    %dma_start3A_139 = tpu.memref_slice %arg3[%add3A, %dma_start3A_136, %dma_start3A_137, %dma_start3A_138] : memref<32x125x4x80xi32, #tpu.memory_space<hbm>> -> memref<1x1x4x80xi32, #tpu.memory_space<hbm>>
    %dma_start3A_140 = tpu.memref_squeeze %dma_start3A_139 : memref<1x1x4x80xi32, #tpu.memory_space<hbm>> -> memref<4x80xi32, #tpu.memory_space<hbm>>
    %dma_start3A_141 = arith.constant 0 : i32
    %dma_start3A_142 = arith.constant 0 : i32
    %dma_start3A_143 = tpu.memref_slice %arg3[%add3A, %dma_start3A_136, %dma_start3A_141, %dma_start3A_142] : memref<32x125x4x80xi32, #tpu.memory_space<hbm>> -> memref<1x1x4x80xi32, #tpu.memory_space<hbm>>
    %dma_start3A_144 = tpu.memref_squeeze %dma_start3A_143 : memref<1x1x4x80xi32, #tpu.memory_space<hbm>> -> memref<4x80xi32, #tpu.memory_space<hbm>>
    tpu.enqueue_dma source(%dma_start3A_144 : memref<4x80xi32, #tpu.memory_space<hbm>>) target(%arg10 : memref<4x80xi32, #tpu.memory_space<vmem>>) target_semaphore(%arg15 : memref<!tpu.dma_semaphore, #tpu.memory_space<semaphore_mem>>)
    %dma_wait3A_145 = arith.constant 0 : i32
    %dma_wait3A_146 = arith.constant 0 : i32
    %dma_wait3A_147 = tpu.memref_slice %arg8[%dma_wait3A_145, %dma_wait3A_146] : memref<4x80xi32, #tpu.memory_space<vmem>> -> memref<1x80xi32, #tpu.memory_space<vmem>>
    %dma_wait3A_148 = tpu.memref_squeeze %dma_wait3A_147 : memref<1x80xi32, #tpu.memory_space<vmem>> -> memref<80xi32, #tpu.memory_space<vmem>>
    %dma_wait3A_149 = arith.constant 0 : i32
    %dma_wait3A_150 = arith.constant 0 : i32
    %dma_wait3A_151 = tpu.memref_slice %arg2[%dma_wait3A_149, %dma_wait3A_150] : memref<20000x128xf32, #tpu.memory_space<hbm>> -> memref<20000x128xf32, #tpu.memory_space<hbm>>
    tpu.wait_indirect_dma semaphore(%arg16 : memref<!tpu.dma_semaphore, #tpu.memory_space<semaphore_mem>>) src(%dma_wait3A_151 : memref<20000x128xf32, #tpu.memory_space<hbm>>) dst(%arg13 : memref<80x128xf32, #tpu.memory_space<vmem>>)
    %dma_start3A_152 = arith.constant 1 : i32
    %dma_start3A_153 = arith.constant 0 : i32
    %dma_start3A_154 = tpu.memref_slice %arg8[%dma_start3A_152, %dma_start3A_153] : memref<4x80xi32, #tpu.memory_space<vmem>> -> memref<1x80xi32, #tpu.memory_space<vmem>>
    %dma_start3A_155 = tpu.memref_squeeze %dma_start3A_154 : memref<1x80xi32, #tpu.memory_space<vmem>> -> memref<80xi32, #tpu.memory_space<vmem>>
    %dma_start3A_156 = arith.constant 0 : i32
    %dma_start3A_157 = arith.constant 0 : i32
    %dma_start3A_158 = tpu.memref_slice %arg6[%dma_start3A_156, %dma_start3A_157] : memref<10000x128xf32, #tpu.memory_space<vmem_shared>> -> memref<10000x128xf32, #tpu.memory_space<vmem_shared>>
    tpu.enqueue_indirect_dma source(%arg13 : memref<80x128xf32, #tpu.memory_space<vmem>>) target(%dma_start3A_158 : memref<10000x128xf32, #tpu.memory_space<vmem_shared>>) offsets(%dma_start3A_155 : memref<80xi32, #tpu.memory_space<vmem>>) semaphore(%arg17 : memref<!tpu.dma_semaphore, #tpu.memory_space<semaphore_mem>>) {add = true}
    %dma_start3A_159 = arith.constant 2 : i32
    %dma_start3A_160 = arith.constant 0 : i32
    %dma_start3A_161 = tpu.memref_slice %arg9[%dma_start3A_159, %dma_start3A_160] : memref<4x80xi32, #tpu.memory_space<vmem>> -> memref<1x80xi32, #tpu.memory_space<vmem>>
    %dma_start3A_162 = tpu.memref_squeeze %dma_start3A_161 : memref<1x80xi32, #tpu.memory_space<vmem>> -> memref<80xi32, #tpu.memory_space<vmem>>
    %dma_start3A_163 = arith.constant 0 : i32
    %dma_start3A_164 = arith.constant 0 : i32
    %dma_start3A_165 = tpu.memref_slice %arg2[%dma_start3A_163, %dma_start3A_164] : memref<20000x128xf32, #tpu.memory_space<hbm>> -> memref<20000x128xf32, #tpu.memory_space<hbm>>
    tpu.enqueue_indirect_dma source(%dma_start3A_165 : memref<20000x128xf32, #tpu.memory_space<hbm>>) target(%arg12 : memref<80x128xf32, #tpu.memory_space<vmem>>) offsets(%dma_start3A_162 : memref<80xi32, #tpu.memory_space<vmem>>) semaphore(%arg16 : memref<!tpu.dma_semaphore, #tpu.memory_space<semaphore_mem>>)
    %dma_wait3A_166 = arith.constant 1 : i32
    %dma_wait3A_167 = arith.constant 0 : i32
    %dma_wait3A_168 = tpu.memref_slice %arg8[%dma_wait3A_166, %dma_wait3A_167] : memref<4x80xi32, #tpu.memory_space<vmem>> -> memref<1x80xi32, #tpu.memory_space<vmem>>
    %dma_wait3A_169 = tpu.memref_squeeze %dma_wait3A_168 : memref<1x80xi32, #tpu.memory_space<vmem>> -> memref<80xi32, #tpu.memory_space<vmem>>
    %dma_wait3A_170 = arith.constant 0 : i32
    %dma_wait3A_171 = arith.constant 0 : i32
    %dma_wait3A_172 = tpu.memref_slice %arg6[%dma_wait3A_170, %dma_wait3A_171] : memref<10000x128xf32, #tpu.memory_space<vmem_shared>> -> memref<10000x128xf32, #tpu.memory_space<vmem_shared>>
    tpu.wait_indirect_dma semaphore(%arg17 : memref<!tpu.dma_semaphore, #tpu.memory_space<semaphore_mem>>) src(%arg13 : memref<80x128xf32, #tpu.memory_space<vmem>>) dst(%dma_wait3A_172 : memref<10000x128xf32, #tpu.memory_space<vmem_shared>>)
    %dma_wait3A_173 = arith.constant 2 : i32
    %dma_wait3A_174 = arith.constant 0 : i32
    %dma_wait3A_175 = tpu.memref_slice %arg8[%dma_wait3A_173, %dma_wait3A_174] : memref<4x80xi32, #tpu.memory_space<vmem>> -> memref<1x80xi32, #tpu.memory_space<vmem>>
    %dma_wait3A_176 = tpu.memref_squeeze %dma_wait3A_175 : memref<1x80xi32, #tpu.memory_space<vmem>> -> memref<80xi32, #tpu.memory_space<vmem>>
    %dma_wait3A_177 = arith.constant 0 : i32
    %dma_wait3A_178 = arith.constant 0 : i32
    %dma_wait3A_179 = tpu.memref_slice %arg2[%dma_wait3A_177, %dma_wait3A_178] : memref<20000x128xf32, #tpu.memory_space<hbm>> -> memref<20000x128xf32, #tpu.memory_space<hbm>>
    tpu.wait_indirect_dma semaphore(%arg16 : memref<!tpu.dma_semaphore, #tpu.memory_space<semaphore_mem>>) src(%dma_wait3A_179 : memref<20000x128xf32, #tpu.memory_space<hbm>>) dst(%arg14 : memref<80x128xf32, #tpu.memory_space<vmem>>)
    %dma_start3A_180 = arith.constant 3 : i32
    %dma_start3A_181 = arith.constant 0 : i32
    %dma_start3A_182 = tpu.memref_slice %arg8[%dma_start3A_180, %dma_start3A_181] : memref<4x80xi32, #tpu.memory_space<vmem>> -> memref<1x80xi32, #tpu.memory_space<vmem>>
    %dma_start3A_183 = tpu.memref_squeeze %dma_start3A_182 : memref<1x80xi32, #tpu.memory_space<vmem>> -> memref<80xi32, #tpu.memory_space<vmem>>
    %dma_start3A_184 = arith.constant 0 : i32
    %dma_start3A_185 = arith.constant 0 : i32
    %dma_start3A_186 = tpu.memref_slice %arg6[%dma_start3A_184, %dma_start3A_185] : memref<10000x128xf32, #tpu.memory_space<vmem_shared>> -> memref<10000x128xf32, #tpu.memory_space<vmem_shared>>
    tpu.enqueue_indirect_dma source(%arg14 : memref<80x128xf32, #tpu.memory_space<vmem>>) target(%dma_start3A_186 : memref<10000x128xf32, #tpu.memory_space<vmem_shared>>) offsets(%dma_start3A_183 : memref<80xi32, #tpu.memory_space<vmem>>) semaphore(%arg17 : memref<!tpu.dma_semaphore, #tpu.memory_space<semaphore_mem>>) {add = true}
    %dma_wait3A_187 = arith.constant 0 : i32
    %dma_wait3A_188 = arith.constant 0 : i32
    %dma_wait3A_189 = arith.constant 0 : i32
    %dma_wait3A_190 = tpu.memref_slice %arg3[%add3A, %dma_wait3A_187, %dma_wait3A_188, %dma_wait3A_189] : memref<32x125x4x80xi32, #tpu.memory_space<hbm>> -> memref<1x1x4x80xi32, #tpu.memory_space<hbm>>
    %dma_wait3A_191 = tpu.memref_squeeze %dma_wait3A_190 : memref<1x1x4x80xi32, #tpu.memory_space<hbm>> -> memref<4x80xi32, #tpu.memory_space<hbm>>
    %dma_wait3A_192 = arith.constant 0 : i32
    %dma_wait3A_193 = arith.constant 0 : i32
    %dma_wait3A_194 = tpu.memref_slice %arg3[%add3A, %dma_wait3A_187, %dma_wait3A_192, %dma_wait3A_193] : memref<32x125x4x80xi32, #tpu.memory_space<hbm>> -> memref<1x1x4x80xi32, #tpu.memory_space<hbm>>
    %dma_wait3A_195 = tpu.memref_squeeze %dma_wait3A_194 : memref<1x1x4x80xi32, #tpu.memory_space<hbm>> -> memref<4x80xi32, #tpu.memory_space<hbm>>
    tpu.wait_dma2 semaphore(%arg15 : memref<!tpu.dma_semaphore, #tpu.memory_space<semaphore_mem>>) src(%dma_wait3A_195 : memref<4x80xi32, #tpu.memory_space<hbm>>) dst(%arg10 : memref<4x80xi32, #tpu.memory_space<vmem>>)
    %dma_start3A_196 = arith.constant 0 : i32
    %dma_start3A_197 = arith.constant 0 : i32
    %dma_start3A_198 = tpu.memref_slice %arg10[%dma_start3A_196, %dma_start3A_197] : memref<4x80xi32, #tpu.memory_space<vmem>> -> memref<1x80xi32, #tpu.memory_space<vmem>>
    %dma_start3A_199 = tpu.memref_squeeze %dma_start3A_198 : memref<1x80xi32, #tpu.memory_space<vmem>> -> memref<80xi32, #tpu.memory_space<vmem>>
    %dma_start3A_200 = arith.constant 0 : i32
    %dma_start3A_201 = arith.constant 0 : i32
    %dma_start3A_202 = tpu.memref_slice %arg2[%dma_start3A_200, %dma_start3A_201] : memref<20000x128xf32, #tpu.memory_space<hbm>> -> memref<20000x128xf32, #tpu.memory_space<hbm>>
    tpu.enqueue_indirect_dma source(%dma_start3A_202 : memref<20000x128xf32, #tpu.memory_space<hbm>>) target(%arg13 : memref<80x128xf32, #tpu.memory_space<vmem>>) offsets(%dma_start3A_199 : memref<80xi32, #tpu.memory_space<vmem>>) semaphore(%arg16 : memref<!tpu.dma_semaphore, #tpu.memory_space<semaphore_mem>>)
    %dma_wait3A_203 = arith.constant 3 : i32
    %dma_wait3A_204 = arith.constant 0 : i32
    %dma_wait3A_205 = tpu.memref_slice %arg8[%dma_wait3A_203, %dma_wait3A_204] : memref<4x80xi32, #tpu.memory_space<vmem>> -> memref<1x80xi32, #tpu.memory_space<vmem>>
    %dma_wait3A_206 = tpu.memref_squeeze %dma_wait3A_205 : memref<1x80xi32, #tpu.memory_space<vmem>> -> memref<80xi32, #tpu.memory_space<vmem>>
    %dma_wait3A_207 = arith.constant 0 : i32
    %dma_wait3A_208 = arith.constant 0 : i32
    %dma_wait3A_209 = tpu.memref_slice %arg6[%dma_wait3A_207, %dma_wait3A_208] : memref<10000x128xf32, #tpu.memory_space<vmem_shared>> -> memref<10000x128xf32, #tpu.memory_space<vmem_shared>>
    tpu.wait_indirect_dma semaphore(%arg17 : memref<!tpu.dma_semaphore, #tpu.memory_space<semaphore_mem>>) src(%arg14 : memref<80x128xf32, #tpu.memory_space<vmem>>) dst(%dma_wait3A_209 : memref<10000x128xf32, #tpu.memory_space<vmem_shared>>)
    %dma_start3A_210 = arith.constant 124 : i32
    %dma_start3A_211 = arith.constant 0 : i32
    %dma_start3A_212 = arith.constant 0 : i32
    %dma_start3A_213 = tpu.memref_slice %arg3[%add3A, %dma_start3A_210, %dma_start3A_211, %dma_start3A_212] : memref<32x125x4x80xi32, #tpu.memory_space<hbm>> -> memref<1x1x4x80xi32, #tpu.memory_space<hbm>>
    %dma_start3A_214 = tpu.memref_squeeze %dma_start3A_213 : memref<1x1x4x80xi32, #tpu.memory_space<hbm>> -> memref<4x80xi32, #tpu.memory_space<hbm>>
    %dma_start3A_215 = arith.constant 0 : i32
    %dma_start3A_216 = arith.constant 0 : i32
    %dma_start3A_217 = tpu.memref_slice %arg3[%add3A, %dma_start3A_210, %dma_start3A_215, %dma_start3A_216] : memref<32x125x4x80xi32, #tpu.memory_space<hbm>> -> memref<1x1x4x80xi32, #tpu.memory_space<hbm>>
    %dma_start3A_218 = tpu.memref_squeeze %dma_start3A_217 : memref<1x1x4x80xi32, #tpu.memory_space<hbm>> -> memref<4x80xi32, #tpu.memory_space<hbm>>
    tpu.enqueue_dma source(%dma_start3A_218 : memref<4x80xi32, #tpu.memory_space<hbm>>) target(%arg7 : memref<4x80xi32, #tpu.memory_space<vmem>>) target_semaphore(%arg15 : memref<!tpu.dma_semaphore, #tpu.memory_space<semaphore_mem>>)
    %dma_wait3A_219 = arith.constant 0 : i32
    %dma_wait3A_220 = arith.constant 0 : i32
    %dma_wait3A_221 = tpu.memref_slice %arg9[%dma_wait3A_219, %dma_wait3A_220] : memref<4x80xi32, #tpu.memory_space<vmem>> -> memref<1x80xi32, #tpu.memory_space<vmem>>
    %dma_wait3A_222 = tpu.memref_squeeze %dma_wait3A_221 : memref<1x80xi32, #tpu.memory_space<vmem>> -> memref<80xi32, #tpu.memory_space<vmem>>
    %dma_wait3A_223 = arith.constant 0 : i32
    %dma_wait3A_224 = arith.constant 0 : i32
    %dma_wait3A_225 = tpu.memref_slice %arg2[%dma_wait3A_223, %dma_wait3A_224] : memref<20000x128xf32, #tpu.memory_space<hbm>> -> memref<20000x128xf32, #tpu.memory_space<hbm>>
    tpu.wait_indirect_dma semaphore(%arg16 : memref<!tpu.dma_semaphore, #tpu.memory_space<semaphore_mem>>) src(%dma_wait3A_225 : memref<20000x128xf32, #tpu.memory_space<hbm>>) dst(%arg11 : memref<80x128xf32, #tpu.memory_space<vmem>>)
    %dma_start3A_226 = arith.constant 1 : i32
    %dma_start3A_227 = arith.constant 0 : i32
    %dma_start3A_228 = tpu.memref_slice %arg9[%dma_start3A_226, %dma_start3A_227] : memref<4x80xi32, #tpu.memory_space<vmem>> -> memref<1x80xi32, #tpu.memory_space<vmem>>
    %dma_start3A_229 = tpu.memref_squeeze %dma_start3A_228 : memref<1x80xi32, #tpu.memory_space<vmem>> -> memref<80xi32, #tpu.memory_space<vmem>>
    %dma_start3A_230 = arith.constant 0 : i32
    %dma_start3A_231 = arith.constant 0 : i32
    %dma_start3A_232 = tpu.memref_slice %arg6[%dma_start3A_230, %dma_start3A_231] : memref<10000x128xf32, #tpu.memory_space<vmem_shared>> -> memref<10000x128xf32, #tpu.memory_space<vmem_shared>>
    tpu.enqueue_indirect_dma source(%arg11 : memref<80x128xf32, #tpu.memory_space<vmem>>) target(%dma_start3A_232 : memref<10000x128xf32, #tpu.memory_space<vmem_shared>>) offsets(%dma_start3A_229 : memref<80xi32, #tpu.memory_space<vmem>>) semaphore(%arg17 : memref<!tpu.dma_semaphore, #tpu.memory_space<semaphore_mem>>) {add = true}
    %dma_start3A_233 = arith.constant 2 : i32
    %dma_start3A_234 = arith.constant 0 : i32
    %dma_start3A_235 = tpu.memref_slice %arg10[%dma_start3A_233, %dma_start3A_234] : memref<4x80xi32, #tpu.memory_space<vmem>> -> memref<1x80xi32, #tpu.memory_space<vmem>>
    %dma_start3A_236 = tpu.memref_squeeze %dma_start3A_235 : memref<1x80xi32, #tpu.memory_space<vmem>> -> memref<80xi32, #tpu.memory_space<vmem>>
    %dma_start3A_237 = arith.constant 0 : i32
    %dma_start3A_238 = arith.constant 0 : i32
    %dma_start3A_239 = tpu.memref_slice %arg2[%dma_start3A_237, %dma_start3A_238] : memref<20000x128xf32, #tpu.memory_space<hbm>> -> memref<20000x128xf32, #tpu.memory_space<hbm>>
    tpu.enqueue_indirect_dma source(%dma_start3A_239 : memref<20000x128xf32, #tpu.memory_space<hbm>>) target(%arg14 : memref<80x128xf32, #tpu.memory_space<vmem>>) offsets(%dma_start3A_236 : memref<80xi32, #tpu.memory_space<vmem>>) semaphore(%arg16 : memref<!tpu.dma_semaphore, #tpu.memory_space<semaphore_mem>>)
    %dma_wait3A_240 = arith.constant 1 : i32
    %dma_wait3A_241 = arith.constant 0 : i32
    %dma_wait3A_242 = tpu.memref_slice %arg9[%dma_wait3A_240, %dma_wait3A_241] : memref<4x80xi32, #tpu.memory_space<vmem>> -> memref<1x80xi32, #tpu.memory_space<vmem>>
    %dma_wait3A_243 = tpu.memref_squeeze %dma_wait3A_242 : memref<1x80xi32, #tpu.memory_space<vmem>> -> memref<80xi32, #tpu.memory_space<vmem>>
    %dma_wait3A_244 = arith.constant 0 : i32
    %dma_wait3A_245 = arith.constant 0 : i32
    %dma_wait3A_246 = tpu.memref_slice %arg6[%dma_wait3A_244, %dma_wait3A_245] : memref<10000x128xf32, #tpu.memory_space<vmem_shared>> -> memref<10000x128xf32, #tpu.memory_space<vmem_shared>>
    tpu.wait_indirect_dma semaphore(%arg17 : memref<!tpu.dma_semaphore, #tpu.memory_space<semaphore_mem>>) src(%arg11 : memref<80x128xf32, #tpu.memory_space<vmem>>) dst(%dma_wait3A_246 : memref<10000x128xf32, #tpu.memory_space<vmem_shared>>)
    %dma_wait3A_247 = arith.constant 2 : i32
    %dma_wait3A_248 = arith.constant 0 : i32
    %dma_wait3A_249 = tpu.memref_slice %arg9[%dma_wait3A_247, %dma_wait3A_248] : memref<4x80xi32, #tpu.memory_space<vmem>> -> memref<1x80xi32, #tpu.memory_space<vmem>>
    %dma_wait3A_250 = tpu.memref_squeeze %dma_wait3A_249 : memref<1x80xi32, #tpu.memory_space<vmem>> -> memref<80xi32, #tpu.memory_space<vmem>>
    %dma_wait3A_251 = arith.constant 0 : i32
    %dma_wait3A_252 = arith.constant 0 : i32
    %dma_wait3A_253 = tpu.memref_slice %arg2[%dma_wait3A_251, %dma_wait3A_252] : memref<20000x128xf32, #tpu.memory_space<hbm>> -> memref<20000x128xf32, #tpu.memory_space<hbm>>
    tpu.wait_indirect_dma semaphore(%arg16 : memref<!tpu.dma_semaphore, #tpu.memory_space<semaphore_mem>>) src(%dma_wait3A_253 : memref<20000x128xf32, #tpu.memory_space<hbm>>) dst(%arg12 : memref<80x128xf32, #tpu.memory_space<vmem>>)
    %dma_start3A_254 = arith.constant 3 : i32
    %dma_start3A_255 = arith.constant 0 : i32
    %dma_start3A_256 = tpu.memref_slice %arg9[%dma_start3A_254, %dma_start3A_255] : memref<4x80xi32, #tpu.memory_space<vmem>> -> memref<1x80xi32, #tpu.memory_space<vmem>>
    %dma_start3A_257 = tpu.memref_squeeze %dma_start3A_256 : memref<1x80xi32, #tpu.memory_space<vmem>> -> memref<80xi32, #tpu.memory_space<vmem>>
    %dma_start3A_258 = arith.constant 0 : i32
    %dma_start3A_259 = arith.constant 0 : i32
    %dma_start3A_260 = tpu.memref_slice %arg6[%dma_start3A_258, %dma_start3A_259] : memref<10000x128xf32, #tpu.memory_space<vmem_shared>> -> memref<10000x128xf32, #tpu.memory_space<vmem_shared>>
    tpu.enqueue_indirect_dma source(%arg12 : memref<80x128xf32, #tpu.memory_space<vmem>>) target(%dma_start3A_260 : memref<10000x128xf32, #tpu.memory_space<vmem_shared>>) offsets(%dma_start3A_257 : memref<80xi32, #tpu.memory_space<vmem>>) semaphore(%arg17 : memref<!tpu.dma_semaphore, #tpu.memory_space<semaphore_mem>>) {add = true}
    %dma_wait3A_261 = arith.constant 0 : i32
    %dma_wait3A_262 = arith.constant 0 : i32
    %dma_wait3A_263 = arith.constant 0 : i32
    %dma_wait3A_264 = tpu.memref_slice %arg3[%add3A, %dma_wait3A_261, %dma_wait3A_262, %dma_wait3A_263] : memref<32x125x4x80xi32, #tpu.memory_space<hbm>> -> memref<1x1x4x80xi32, #tpu.memory_space<hbm>>
    %dma_wait3A_265 = tpu.memref_squeeze %dma_wait3A_264 : memref<1x1x4x80xi32, #tpu.memory_space<hbm>> -> memref<4x80xi32, #tpu.memory_space<hbm>>
    %dma_wait3A_266 = arith.constant 0 : i32
    %dma_wait3A_267 = arith.constant 0 : i32
    %dma_wait3A_268 = tpu.memref_slice %arg3[%add3A, %dma_wait3A_261, %dma_wait3A_266, %dma_wait3A_267] : memref<32x125x4x80xi32, #tpu.memory_space<hbm>> -> memref<1x1x4x80xi32, #tpu.memory_space<hbm>>
    %dma_wait3A_269 = tpu.memref_squeeze %dma_wait3A_268 : memref<1x1x4x80xi32, #tpu.memory_space<hbm>> -> memref<4x80xi32, #tpu.memory_space<hbm>>
    tpu.wait_dma2 semaphore(%arg15 : memref<!tpu.dma_semaphore, #tpu.memory_space<semaphore_mem>>) src(%dma_wait3A_269 : memref<4x80xi32, #tpu.memory_space<hbm>>) dst(%arg7 : memref<4x80xi32, #tpu.memory_space<vmem>>)
    %dma_start3A_270 = arith.constant 0 : i32
    %dma_start3A_271 = arith.constant 0 : i32
    %dma_start3A_272 = tpu.memref_slice %arg7[%dma_start3A_270, %dma_start3A_271] : memref<4x80xi32, #tpu.memory_space<vmem>> -> memref<1x80xi32, #tpu.memory_space<vmem>>
    %dma_start3A_273 = tpu.memref_squeeze %dma_start3A_272 : memref<1x80xi32, #tpu.memory_space<vmem>> -> memref<80xi32, #tpu.memory_space<vmem>>
    %dma_start3A_274 = arith.constant 0 : i32
    %dma_start3A_275 = arith.constant 0 : i32
    %dma_start3A_276 = tpu.memref_slice %arg2[%dma_start3A_274, %dma_start3A_275] : memref<20000x128xf32, #tpu.memory_space<hbm>> -> memref<20000x128xf32, #tpu.memory_space<hbm>>
    tpu.enqueue_indirect_dma source(%dma_start3A_276 : memref<20000x128xf32, #tpu.memory_space<hbm>>) target(%arg11 : memref<80x128xf32, #tpu.memory_space<vmem>>) offsets(%dma_start3A_273 : memref<80xi32, #tpu.memory_space<vmem>>) semaphore(%arg16 : memref<!tpu.dma_semaphore, #tpu.memory_space<semaphore_mem>>)
    %dma_wait3A_277 = arith.constant 3 : i32
    %dma_wait3A_278 = arith.constant 0 : i32
    %dma_wait3A_279 = tpu.memref_slice %arg9[%dma_wait3A_277, %dma_wait3A_278] : memref<4x80xi32, #tpu.memory_space<vmem>> -> memref<1x80xi32, #tpu.memory_space<vmem>>
    %dma_wait3A_280 = tpu.memref_squeeze %dma_wait3A_279 : memref<1x80xi32, #tpu.memory_space<vmem>> -> memref<80xi32, #tpu.memory_space<vmem>>
    %dma_wait3A_281 = arith.constant 0 : i32
    %dma_wait3A_282 = arith.constant 0 : i32
    %dma_wait3A_283 = tpu.memref_slice %arg6[%dma_wait3A_281, %dma_wait3A_282] : memref<10000x128xf32, #tpu.memory_space<vmem_shared>> -> memref<10000x128xf32, #tpu.memory_space<vmem_shared>>
    tpu.wait_indirect_dma semaphore(%arg17 : memref<!tpu.dma_semaphore, #tpu.memory_space<semaphore_mem>>) src(%arg12 : memref<80x128xf32, #tpu.memory_space<vmem>>) dst(%dma_wait3A_283 : memref<10000x128xf32, #tpu.memory_space<vmem_shared>>)
    %dma_wait3A_284 = arith.constant 0 : i32
    %dma_wait3A_285 = arith.constant 0 : i32
    %dma_wait3A_286 = tpu.memref_slice %arg10[%dma_wait3A_284, %dma_wait3A_285] : memref<4x80xi32, #tpu.memory_space<vmem>> -> memref<1x80xi32, #tpu.memory_space<vmem>>
    %dma_wait3A_287 = tpu.memref_squeeze %dma_wait3A_286 : memref<1x80xi32, #tpu.memory_space<vmem>> -> memref<80xi32, #tpu.memory_space<vmem>>
    %dma_wait3A_288 = arith.constant 0 : i32
    %dma_wait3A_289 = arith.constant 0 : i32
    %dma_wait3A_290 = tpu.memref_slice %arg2[%dma_wait3A_288, %dma_wait3A_289] : memref<20000x128xf32, #tpu.memory_space<hbm>> -> memref<20000x128xf32, #tpu.memory_space<hbm>>
    tpu.wait_indirect_dma semaphore(%arg16 : memref<!tpu.dma_semaphore, #tpu.memory_space<semaphore_mem>>) src(%dma_wait3A_290 : memref<20000x128xf32, #tpu.memory_space<hbm>>) dst(%arg13 : memref<80x128xf32, #tpu.memory_space<vmem>>)
    %dma_start3A_291 = arith.constant 1 : i32
    %dma_start3A_292 = arith.constant 0 : i32
    %dma_start3A_293 = tpu.memref_slice %arg10[%dma_start3A_291, %dma_start3A_292] : memref<4x80xi32, #tpu.memory_space<vmem>> -> memref<1x80xi32, #tpu.memory_space<vmem>>
    %dma_start3A_294 = tpu.memref_squeeze %dma_start3A_293 : memref<1x80xi32, #tpu.memory_space<vmem>> -> memref<80xi32, #tpu.memory_space<vmem>>
    %dma_start3A_295 = arith.constant 0 : i32
    %dma_start3A_296 = arith.constant 0 : i32
    %dma_start3A_297 = tpu.memref_slice %arg6[%dma_start3A_295, %dma_start3A_296] : memref<10000x128xf32, #tpu.memory_space<vmem_shared>> -> memref<10000x128xf32, #tpu.memory_space<vmem_shared>>
    tpu.enqueue_indirect_dma source(%arg13 : memref<80x128xf32, #tpu.memory_space<vmem>>) target(%dma_start3A_297 : memref<10000x128xf32, #tpu.memory_space<vmem_shared>>) offsets(%dma_start3A_294 : memref<80xi32, #tpu.memory_space<vmem>>) semaphore(%arg17 : memref<!tpu.dma_semaphore, #tpu.memory_space<semaphore_mem>>) {add = true}
    %dma_start3A_298 = arith.constant 2 : i32
    %dma_start3A_299 = arith.constant 0 : i32
    %dma_start3A_300 = tpu.memref_slice %arg7[%dma_start3A_298, %dma_start3A_299] : memref<4x80xi32, #tpu.memory_space<vmem>> -> memref<1x80xi32, #tpu.memory_space<vmem>>
    %dma_start3A_301 = tpu.memref_squeeze %dma_start3A_300 : memref<1x80xi32, #tpu.memory_space<vmem>> -> memref<80xi32, #tpu.memory_space<vmem>>
    %dma_start3A_302 = arith.constant 0 : i32
    %dma_start3A_303 = arith.constant 0 : i32
    %dma_start3A_304 = tpu.memref_slice %arg2[%dma_start3A_302, %dma_start3A_303] : memref<20000x128xf32, #tpu.memory_space<hbm>> -> memref<20000x128xf32, #tpu.memory_space<hbm>>
    tpu.enqueue_indirect_dma source(%dma_start3A_304 : memref<20000x128xf32, #tpu.memory_space<hbm>>) target(%arg12 : memref<80x128xf32, #tpu.memory_space<vmem>>) offsets(%dma_start3A_301 : memref<80xi32, #tpu.memory_space<vmem>>) semaphore(%arg16 : memref<!tpu.dma_semaphore, #tpu.memory_space<semaphore_mem>>)
    %dma_wait3A_305 = arith.constant 1 : i32
    %dma_wait3A_306 = arith.constant 0 : i32
    %dma_wait3A_307 = tpu.memref_slice %arg10[%dma_wait3A_305, %dma_wait3A_306] : memref<4x80xi32, #tpu.memory_space<vmem>> -> memref<1x80xi32, #tpu.memory_space<vmem>>
    %dma_wait3A_308 = tpu.memref_squeeze %dma_wait3A_307 : memref<1x80xi32, #tpu.memory_space<vmem>> -> memref<80xi32, #tpu.memory_space<vmem>>
    %dma_wait3A_309 = arith.constant 0 : i32
    %dma_wait3A_310 = arith.constant 0 : i32
    %dma_wait3A_311 = tpu.memref_slice %arg6[%dma_wait3A_309, %dma_wait3A_310] : memref<10000x128xf32, #tpu.memory_space<vmem_shared>> -> memref<10000x128xf32, #tpu.memory_space<vmem_shared>>
    tpu.wait_indirect_dma semaphore(%arg17 : memref<!tpu.dma_semaphore, #tpu.memory_space<semaphore_mem>>) src(%arg13 : memref<80x128xf32, #tpu.memory_space<vmem>>) dst(%dma_wait3A_311 : memref<10000x128xf32, #tpu.memory_space<vmem_shared>>)
    %dma_wait3A_312 = arith.constant 2 : i32
    %dma_wait3A_313 = arith.constant 0 : i32
    %dma_wait3A_314 = tpu.memref_slice %arg10[%dma_wait3A_312, %dma_wait3A_313] : memref<4x80xi32, #tpu.memory_space<vmem>> -> memref<1x80xi32, #tpu.memory_space<vmem>>
    %dma_wait3A_315 = tpu.memref_squeeze %dma_wait3A_314 : memref<1x80xi32, #tpu.memory_space<vmem>> -> memref<80xi32, #tpu.memory_space<vmem>>
    %dma_wait3A_316 = arith.constant 0 : i32
    %dma_wait3A_317 = arith.constant 0 : i32
    %dma_wait3A_318 = tpu.memref_slice %arg2[%dma_wait3A_316, %dma_wait3A_317] : memref<20000x128xf32, #tpu.memory_space<hbm>> -> memref<20000x128xf32, #tpu.memory_space<hbm>>
    tpu.wait_indirect_dma semaphore(%arg16 : memref<!tpu.dma_semaphore, #tpu.memory_space<semaphore_mem>>) src(%dma_wait3A_318 : memref<20000x128xf32, #tpu.memory_space<hbm>>) dst(%arg14 : memref<80x128xf32, #tpu.memory_space<vmem>>)
    %dma_start3A_319 = arith.constant 3 : i32
    %dma_start3A_320 = arith.constant 0 : i32
    %dma_start3A_321 = tpu.memref_slice %arg10[%dma_start3A_319, %dma_start3A_320] : memref<4x80xi32, #tpu.memory_space<vmem>> -> memref<1x80xi32, #tpu.memory_space<vmem>>
    %dma_start3A_322 = tpu.memref_squeeze %dma_start3A_321 : memref<1x80xi32, #tpu.memory_space<vmem>> -> memref<80xi32, #tpu.memory_space<vmem>>
    %dma_start3A_323 = arith.constant 0 : i32
    %dma_start3A_324 = arith.constant 0 : i32
    %dma_start3A_325 = tpu.memref_slice %arg6[%dma_start3A_323, %dma_start3A_324] : memref<10000x128xf32, #tpu.memory_space<vmem_shared>> -> memref<10000x128xf32, #tpu.memory_space<vmem_shared>>
    tpu.enqueue_indirect_dma source(%arg14 : memref<80x128xf32, #tpu.memory_space<vmem>>) target(%dma_start3A_325 : memref<10000x128xf32, #tpu.memory_space<vmem_shared>>) offsets(%dma_start3A_322 : memref<80xi32, #tpu.memory_space<vmem>>) semaphore(%arg17 : memref<!tpu.dma_semaphore, #tpu.memory_space<semaphore_mem>>) {add = true}
    %dma_wait3A_326 = arith.constant 3 : i32
    %dma_wait3A_327 = arith.constant 0 : i32
    %dma_wait3A_328 = tpu.memref_slice %arg10[%dma_wait3A_326, %dma_wait3A_327] : memref<4x80xi32, #tpu.memory_space<vmem>> -> memref<1x80xi32, #tpu.memory_space<vmem>>
    %dma_wait3A_329 = tpu.memref_squeeze %dma_wait3A_328 : memref<1x80xi32, #tpu.memory_space<vmem>> -> memref<80xi32, #tpu.memory_space<vmem>>
    %dma_wait3A_330 = arith.constant 0 : i32
    %dma_wait3A_331 = arith.constant 0 : i32
    %dma_wait3A_332 = tpu.memref_slice %arg6[%dma_wait3A_330, %dma_wait3A_331] : memref<10000x128xf32, #tpu.memory_space<vmem_shared>> -> memref<10000x128xf32, #tpu.memory_space<vmem_shared>>
    tpu.wait_indirect_dma semaphore(%arg17 : memref<!tpu.dma_semaphore, #tpu.memory_space<semaphore_mem>>) src(%arg14 : memref<80x128xf32, #tpu.memory_space<vmem>>) dst(%dma_wait3A_332 : memref<10000x128xf32, #tpu.memory_space<vmem_shared>>)
    %dma_wait3A_333 = arith.constant 0 : i32
    %dma_wait3A_334 = arith.constant 0 : i32
    %dma_wait3A_335 = tpu.memref_slice %arg7[%dma_wait3A_333, %dma_wait3A_334] : memref<4x80xi32, #tpu.memory_space<vmem>> -> memref<1x80xi32, #tpu.memory_space<vmem>>
    %dma_wait3A_336 = tpu.memref_squeeze %dma_wait3A_335 : memref<1x80xi32, #tpu.memory_space<vmem>> -> memref<80xi32, #tpu.memory_space<vmem>>
    %dma_wait3A_337 = arith.constant 0 : i32
    %dma_wait3A_338 = arith.constant 0 : i32
    %dma_wait3A_339 = tpu.memref_slice %arg2[%dma_wait3A_337, %dma_wait3A_338] : memref<20000x128xf32, #tpu.memory_space<hbm>> -> memref<20000x128xf32, #tpu.memory_space<hbm>>
    tpu.wait_indirect_dma semaphore(%arg16 : memref<!tpu.dma_semaphore, #tpu.memory_space<semaphore_mem>>) src(%dma_wait3A_339 : memref<20000x128xf32, #tpu.memory_space<hbm>>) dst(%arg11 : memref<80x128xf32, #tpu.memory_space<vmem>>)
    %dma_start3A_340 = arith.constant 1 : i32
    %dma_start3A_341 = arith.constant 0 : i32
    %dma_start3A_342 = tpu.memref_slice %arg7[%dma_start3A_340, %dma_start3A_341] : memref<4x80xi32, #tpu.memory_space<vmem>> -> memref<1x80xi32, #tpu.memory_space<vmem>>
    %dma_start3A_343 = tpu.memref_squeeze %dma_start3A_342 : memref<1x80xi32, #tpu.memory_space<vmem>> -> memref<80xi32, #tpu.memory_space<vmem>>
    %dma_start3A_344 = arith.constant 0 : i32
    %dma_start3A_345 = arith.constant 0 : i32
    %dma_start3A_346 = tpu.memref_slice %arg6[%dma_start3A_344, %dma_start3A_345] : memref<10000x128xf32, #tpu.memory_space<vmem_shared>> -> memref<10000x128xf32, #tpu.memory_space<vmem_shared>>
    tpu.enqueue_indirect_dma source(%arg11 : memref<80x128xf32, #tpu.memory_space<vmem>>) target(%dma_start3A_346 : memref<10000x128xf32, #tpu.memory_space<vmem_shared>>) offsets(%dma_start3A_343 : memref<80xi32, #tpu.memory_space<vmem>>) semaphore(%arg17 : memref<!tpu.dma_semaphore, #tpu.memory_space<semaphore_mem>>) {add = true}
    %dma_wait3A_347 = arith.constant 1 : i32
    %dma_wait3A_348 = arith.constant 0 : i32
    %dma_wait3A_349 = tpu.memref_slice %arg7[%dma_wait3A_347, %dma_wait3A_348] : memref<4x80xi32, #tpu.memory_space<vmem>> -> memref<1x80xi32, #tpu.memory_space<vmem>>
    %dma_wait3A_350 = tpu.memref_squeeze %dma_wait3A_349 : memref<1x80xi32, #tpu.memory_space<vmem>> -> memref<80xi32, #tpu.memory_space<vmem>>
    %dma_wait3A_351 = arith.constant 0 : i32
    %dma_wait3A_352 = arith.constant 0 : i32
    %dma_wait3A_353 = tpu.memref_slice %arg6[%dma_wait3A_351, %dma_wait3A_352] : memref<10000x128xf32, #tpu.memory_space<vmem_shared>> -> memref<10000x128xf32, #tpu.memory_space<vmem_shared>>
    tpu.wait_indirect_dma semaphore(%arg17 : memref<!tpu.dma_semaphore, #tpu.memory_space<semaphore_mem>>) src(%arg11 : memref<80x128xf32, #tpu.memory_space<vmem>>) dst(%dma_wait3A_353 : memref<10000x128xf32, #tpu.memory_space<vmem_shared>>)
    %dma_wait3A_354 = arith.constant 2 : i32
    %dma_wait3A_355 = arith.constant 0 : i32
    %dma_wait3A_356 = tpu.memref_slice %arg7[%dma_wait3A_354, %dma_wait3A_355] : memref<4x80xi32, #tpu.memory_space<vmem>> -> memref<1x80xi32, #tpu.memory_space<vmem>>
    %dma_wait3A_357 = tpu.memref_squeeze %dma_wait3A_356 : memref<1x80xi32, #tpu.memory_space<vmem>> -> memref<80xi32, #tpu.memory_space<vmem>>
    %dma_wait3A_358 = arith.constant 0 : i32
    %dma_wait3A_359 = arith.constant 0 : i32
    %dma_wait3A_360 = tpu.memref_slice %arg2[%dma_wait3A_358, %dma_wait3A_359] : memref<20000x128xf32, #tpu.memory_space<hbm>> -> memref<20000x128xf32, #tpu.memory_space<hbm>>
    tpu.wait_indirect_dma semaphore(%arg16 : memref<!tpu.dma_semaphore, #tpu.memory_space<semaphore_mem>>) src(%dma_wait3A_360 : memref<20000x128xf32, #tpu.memory_space<hbm>>) dst(%arg12 : memref<80x128xf32, #tpu.memory_space<vmem>>)
    %dma_start3A_361 = arith.constant 3 : i32
    %dma_start3A_362 = arith.constant 0 : i32
    %dma_start3A_363 = tpu.memref_slice %arg7[%dma_start3A_361, %dma_start3A_362] : memref<4x80xi32, #tpu.memory_space<vmem>> -> memref<1x80xi32, #tpu.memory_space<vmem>>
    %dma_start3A_364 = tpu.memref_squeeze %dma_start3A_363 : memref<1x80xi32, #tpu.memory_space<vmem>> -> memref<80xi32, #tpu.memory_space<vmem>>
    %dma_start3A_365 = arith.constant 0 : i32
    %dma_start3A_366 = arith.constant 0 : i32
    %dma_start3A_367 = tpu.memref_slice %arg6[%dma_start3A_365, %dma_start3A_366] : memref<10000x128xf32, #tpu.memory_space<vmem_shared>> -> memref<10000x128xf32, #tpu.memory_space<vmem_shared>>
    tpu.enqueue_indirect_dma source(%arg12 : memref<80x128xf32, #tpu.memory_space<vmem>>) target(%dma_start3A_367 : memref<10000x128xf32, #tpu.memory_space<vmem_shared>>) offsets(%dma_start3A_364 : memref<80xi32, #tpu.memory_space<vmem>>) semaphore(%arg17 : memref<!tpu.dma_semaphore, #tpu.memory_space<semaphore_mem>>) {add = true}
    %dma_wait3A_368 = arith.constant 3 : i32
    %dma_wait3A_369 = arith.constant 0 : i32
    %dma_wait3A_370 = tpu.memref_slice %arg7[%dma_wait3A_368, %dma_wait3A_369] : memref<4x80xi32, #tpu.memory_space<vmem>> -> memref<1x80xi32, #tpu.memory_space<vmem>>
    %dma_wait3A_371 = tpu.memref_squeeze %dma_wait3A_370 : memref<1x80xi32, #tpu.memory_space<vmem>> -> memref<80xi32, #tpu.memory_space<vmem>>
    %dma_wait3A_372 = arith.constant 0 : i32
    %dma_wait3A_373 = arith.constant 0 : i32
    %dma_wait3A_374 = tpu.memref_slice %arg6[%dma_wait3A_372, %dma_wait3A_373] : memref<10000x128xf32, #tpu.memory_space<vmem_shared>> -> memref<10000x128xf32, #tpu.memory_space<vmem_shared>>
    tpu.wait_indirect_dma semaphore(%arg17 : memref<!tpu.dma_semaphore, #tpu.memory_space<semaphore_mem>>) src(%arg12 : memref<80x128xf32, #tpu.memory_space<vmem>>) dst(%dma_wait3A_374 : memref<10000x128xf32, #tpu.memory_space<vmem_shared>>)
    %barrier3A_375 = arith.constant 0 : index
    tpu.barrier barrier_id(%barrier3A_375)
    %mul3A_376 = arith.constant 625 : i32
    %mul3A_377 = arith.muli %arg1, %mul3A_376 : i32
    "tpu.region"() ({
      %run_scoped3A = tpu.sem_alloc : memref<!tpu.dma_semaphore, #tpu.memory_space<semaphore_mem>>
      %dma_start3A_378 = arith.constant 0 : i32
      %dma_start3A_379 = arith.constant 0 : i32
      %dma_start3A_380 = tpu.memref_slice %arg5[%add3A, %dma_start3A_378, %dma_start3A_379] : memref<32x625x128xf32, #tpu.memory_space<hbm>> -> memref<1x625x128xf32, #tpu.memory_space<hbm>>
      %dma_start3A_381 = tpu.memref_squeeze %dma_start3A_380 : memref<1x625x128xf32, #tpu.memory_space<hbm>> -> memref<625x128xf32, #tpu.memory_space<hbm>>
      %dma_start3A_382 = arith.constant 0 : i32
      %dma_start3A_383 = tpu.memref_slice %arg6[%mul3A_377, %dma_start3A_382] : memref<10000x128xf32, #tpu.memory_space<vmem_shared>> -> memref<625x128xf32, #tpu.memory_space<vmem_shared>>
      tpu.enqueue_dma source(%dma_start3A_383 : memref<625x128xf32, #tpu.memory_space<vmem_shared>>) target(%dma_start3A_381 : memref<625x128xf32, #tpu.memory_space<hbm>>) target_semaphore(%run_scoped3A : memref<!tpu.dma_semaphore, #tpu.memory_space<semaphore_mem>>)
      %dma_wait3A_384 = arith.constant 0 : i32
      %dma_wait3A_385 = arith.constant 0 : i32
      %dma_wait3A_386 = tpu.memref_slice %arg5[%add3A, %dma_wait3A_384, %dma_wait3A_385] : memref<32x625x128xf32, #tpu.memory_space<hbm>> -> memref<1x625x128xf32, #tpu.memory_space<hbm>>
      %dma_wait3A_387 = tpu.memref_squeeze %dma_wait3A_386 : memref<1x625x128xf32, #tpu.memory_space<hbm>> -> memref<625x128xf32, #tpu.memory_space<hbm>>
      %dma_wait3A_388 = arith.constant 0 : i32
      %dma_wait3A_389 = tpu.memref_slice %arg6[%mul3A_377, %dma_wait3A_388] : memref<10000x128xf32, #tpu.memory_space<vmem_shared>> -> memref<625x128xf32, #tpu.memory_space<vmem_shared>>
      tpu.wait_dma2 semaphore(%run_scoped3A : memref<!tpu.dma_semaphore, #tpu.memory_space<semaphore_mem>>) src(%dma_wait3A_389 : memref<625x128xf32, #tpu.memory_space<vmem_shared>>) dst(%dma_wait3A_387 : memref<625x128xf32, #tpu.memory_space<hbm>>)
      tpu.yield
    }) : () -> ()
    return
  }
}

module attributes {stable_mosaic.version = 14 : i64} {
  func.func @body(%arg0: i32, %arg1: memref<1x1000x128xf32, #tpu.memory_space<vmem>>, %arg2: memref<1x1000x128xf32, #tpu.memory_space<vmem>>, %arg3: memref<1000x1xi32, #tpu.memory_space<vmem>>, %arg4: memref<4x128x128xf32, #tpu.memory_space<vmem>>, %arg5: memref<4x128x128xf32, #tpu.memory_space<vmem>>, %arg6: memref<1000x128xf32, #tpu.memory_space<vmem>>, %arg7: memref<1000x128xf32, #tpu.memory_space<vmem>>) attributes {dimension_semantics = [#tpu.dimension_semantics<arbitrary>], iteration_bounds = array<i64: 10>, scalar_prefetch = 0 : i64, scratch_operands = 0 : i64, tpu.core_type = #tpu.core_type<tc>, window_params = [{transform_indices = @transform_0, window_bounds = array<i64: 1, 1000, 128>}, {transform_indices = @transform_1, window_bounds = array<i64: 1, 1000, 128>}, {transform_indices = @transform_2, window_bounds = array<i64: 1000, 1>}, {pipeline_mode = #tpu.pipeline_mode<synchronous>, transform_indices = @transform_3, window_bounds = array<i64: 4, 128, 128>}, {pipeline_mode = #tpu.pipeline_mode<synchronous>, transform_indices = @transform_4, window_bounds = array<i64: 4, 128, 128>}, {transform_indices = @transform_5, window_bounds = array<i64: 1000, 128>}, {transform_indices = @transform_6, window_bounds = array<i64: 1000, 128>}]} {
    %get3A = arith.constant 0 : index
    %get3A_0 = arith.constant 0 : index
    %get3A_1 = arith.constant 0 : index
    %get3A_2 = vector.load %arg1[%get3A, %get3A_0, %get3A_1] : memref<1x1000x128xf32, #tpu.memory_space<vmem>>, vector<1x1000x128xf32>
    %get3A_3 = vector.shape_cast %get3A_2 : vector<1x1000x128xf32> to vector<1000x128xf32>
    %get3A_4 = arith.constant 0 : index
    %get3A_5 = arith.constant 0 : index
    %get3A_6 = arith.constant 0 : index
    %get3A_7 = vector.load %arg2[%get3A_4, %get3A_5, %get3A_6] : memref<1x1000x128xf32, #tpu.memory_space<vmem>>, vector<1x1000x128xf32>
    %get3A_8 = vector.shape_cast %get3A_7 : vector<1x1000x128xf32> to vector<1000x128xf32>
    %get3A_9 = arith.constant 0 : index
    %get3A_10 = arith.constant 0 : index
    %get3A_11 = vector.load %arg3[%get3A_9, %get3A_10] : memref<1000x1xi32, #tpu.memory_space<vmem>>, vector<1000x1xi32>
    %broadcast_in_dim3A = arith.constant 0.000000e+00 : f32
    %broadcast_in_dim3A_12 = vector.broadcast %broadcast_in_dim3A : f32 to vector<1000x128xf32>
    %broadcast_in_dim3A_13 = arith.constant 0.000000e+00 : f32
    %broadcast_in_dim3A_14 = vector.broadcast %broadcast_in_dim3A_13 : f32 to vector<1000x128xf32>
    %eq3A = arith.constant 0 : i32
    %eq3A_15 = vector.broadcast %eq3A : i32 to vector<1000x1xi32>
    %eq3A_16 = arith.cmpi eq, %get3A_11, %eq3A_15 : vector<1000x1xi32>
    %convert_element_type3A = arith.extui %eq3A_16 : vector<1000x1xi1> to vector<1000x1xi32>
    %convert_element_type3A_17 = arith.sitofp %convert_element_type3A : vector<1000x1xi32> to vector<1000x1xf32>
    %get3A_18 = arith.constant 0 : index
    %get3A_19 = arith.constant 0 : index
    %get3A_20 = arith.constant 0 : index
    %get3A_21 = vector.load %arg4[%get3A_18, %get3A_19, %get3A_20] : memref<4x128x128xf32, #tpu.memory_space<vmem>>, vector<1x128x128xf32>
    %get3A_22 = vector.shape_cast %get3A_21 : vector<1x128x128xf32> to vector<128x128xf32>
    %dot_general3A = arith.constant dense<0.000000e+00> : vector<1000x128xf32>
    %dot_general3A_23 = tpu.matmul %get3A_3, %get3A_22, %dot_general3A {dimension_numbers = #tpu.dot_dimension_numbers<[1], [0], [0], [1], [0, 0, 1, 1], [], []>, transpose_lhs_hint = false} : vector<1000x128xf32>, vector<128x128xf32>, vector<1000x128xf32> -> vector<1000x128xf32>
    %mul3A = vector.broadcast %convert_element_type3A_17 : vector<1000x1xf32> to vector<1000x128xf32>
    %mul3A_24 = arith.mulf %dot_general3A_23, %mul3A : vector<1000x128xf32>
    %add3A = arith.addf %broadcast_in_dim3A_12, %mul3A_24 : vector<1000x128xf32>
    %get3A_25 = arith.constant 0 : index
    %get3A_26 = arith.constant 0 : index
    %get3A_27 = arith.constant 0 : index
    %get3A_28 = vector.load %arg5[%get3A_25, %get3A_26, %get3A_27] : memref<4x128x128xf32, #tpu.memory_space<vmem>>, vector<1x128x128xf32>
    %get3A_29 = vector.shape_cast %get3A_28 : vector<1x128x128xf32> to vector<128x128xf32>
    %dot_general3A_30 = arith.constant dense<0.000000e+00> : vector<1000x128xf32>
    %dot_general3A_31 = tpu.matmul %get3A_8, %get3A_29, %dot_general3A_30 {dimension_numbers = #tpu.dot_dimension_numbers<[1], [0], [0], [1], [0, 0, 1, 1], [], []>, transpose_lhs_hint = false} : vector<1000x128xf32>, vector<128x128xf32>, vector<1000x128xf32> -> vector<1000x128xf32>
    %mul3A_32 = vector.broadcast %convert_element_type3A_17 : vector<1000x1xf32> to vector<1000x128xf32>
    %mul3A_33 = arith.mulf %dot_general3A_31, %mul3A_32 : vector<1000x128xf32>
    %add3A_34 = arith.addf %broadcast_in_dim3A_14, %mul3A_33 : vector<1000x128xf32>
    %eq3A_35 = arith.constant 1 : i32
    %eq3A_36 = vector.broadcast %eq3A_35 : i32 to vector<1000x1xi32>
    %eq3A_37 = arith.cmpi eq, %get3A_11, %eq3A_36 : vector<1000x1xi32>
    %convert_element_type3A_38 = arith.extui %eq3A_37 : vector<1000x1xi1> to vector<1000x1xi32>
    %convert_element_type3A_39 = arith.sitofp %convert_element_type3A_38 : vector<1000x1xi32> to vector<1000x1xf32>
    %get3A_40 = arith.constant 1 : index
    %get3A_41 = arith.constant 0 : index
    %get3A_42 = arith.constant 0 : index
    %get3A_43 = vector.load %arg4[%get3A_40, %get3A_41, %get3A_42] : memref<4x128x128xf32, #tpu.memory_space<vmem>>, vector<1x128x128xf32>
    %get3A_44 = vector.shape_cast %get3A_43 : vector<1x128x128xf32> to vector<128x128xf32>
    %dot_general3A_45 = arith.constant dense<0.000000e+00> : vector<1000x128xf32>
    %dot_general3A_46 = tpu.matmul %get3A_3, %get3A_44, %dot_general3A_45 {dimension_numbers = #tpu.dot_dimension_numbers<[1], [0], [0], [1], [0, 0, 1, 1], [], []>, transpose_lhs_hint = false} : vector<1000x128xf32>, vector<128x128xf32>, vector<1000x128xf32> -> vector<1000x128xf32>
    %mul3A_47 = vector.broadcast %convert_element_type3A_39 : vector<1000x1xf32> to vector<1000x128xf32>
    %mul3A_48 = arith.mulf %dot_general3A_46, %mul3A_47 : vector<1000x128xf32>
    %add3A_49 = arith.addf %add3A, %mul3A_48 : vector<1000x128xf32>
    %get3A_50 = arith.constant 1 : index
    %get3A_51 = arith.constant 0 : index
    %get3A_52 = arith.constant 0 : index
    %get3A_53 = vector.load %arg5[%get3A_50, %get3A_51, %get3A_52] : memref<4x128x128xf32, #tpu.memory_space<vmem>>, vector<1x128x128xf32>
    %get3A_54 = vector.shape_cast %get3A_53 : vector<1x128x128xf32> to vector<128x128xf32>
    %dot_general3A_55 = arith.constant dense<0.000000e+00> : vector<1000x128xf32>
    %dot_general3A_56 = tpu.matmul %get3A_8, %get3A_54, %dot_general3A_55 {dimension_numbers = #tpu.dot_dimension_numbers<[1], [0], [0], [1], [0, 0, 1, 1], [], []>, transpose_lhs_hint = false} : vector<1000x128xf32>, vector<128x128xf32>, vector<1000x128xf32> -> vector<1000x128xf32>
    %mul3A_57 = vector.broadcast %convert_element_type3A_39 : vector<1000x1xf32> to vector<1000x128xf32>
    %mul3A_58 = arith.mulf %dot_general3A_56, %mul3A_57 : vector<1000x128xf32>
    %add3A_59 = arith.addf %add3A_34, %mul3A_58 : vector<1000x128xf32>
    %eq3A_60 = arith.constant 2 : i32
    %eq3A_61 = vector.broadcast %eq3A_60 : i32 to vector<1000x1xi32>
    %eq3A_62 = arith.cmpi eq, %get3A_11, %eq3A_61 : vector<1000x1xi32>
    %convert_element_type3A_63 = arith.extui %eq3A_62 : vector<1000x1xi1> to vector<1000x1xi32>
    %convert_element_type3A_64 = arith.sitofp %convert_element_type3A_63 : vector<1000x1xi32> to vector<1000x1xf32>
    %get3A_65 = arith.constant 2 : index
    %get3A_66 = arith.constant 0 : index
    %get3A_67 = arith.constant 0 : index
    %get3A_68 = vector.load %arg4[%get3A_65, %get3A_66, %get3A_67] : memref<4x128x128xf32, #tpu.memory_space<vmem>>, vector<1x128x128xf32>
    %get3A_69 = vector.shape_cast %get3A_68 : vector<1x128x128xf32> to vector<128x128xf32>
    %dot_general3A_70 = arith.constant dense<0.000000e+00> : vector<1000x128xf32>
    %dot_general3A_71 = tpu.matmul %get3A_3, %get3A_69, %dot_general3A_70 {dimension_numbers = #tpu.dot_dimension_numbers<[1], [0], [0], [1], [0, 0, 1, 1], [], []>, transpose_lhs_hint = false} : vector<1000x128xf32>, vector<128x128xf32>, vector<1000x128xf32> -> vector<1000x128xf32>
    %mul3A_72 = vector.broadcast %convert_element_type3A_64 : vector<1000x1xf32> to vector<1000x128xf32>
    %mul3A_73 = arith.mulf %dot_general3A_71, %mul3A_72 : vector<1000x128xf32>
    %add3A_74 = arith.addf %add3A_49, %mul3A_73 : vector<1000x128xf32>
    %get3A_75 = arith.constant 2 : index
    %get3A_76 = arith.constant 0 : index
    %get3A_77 = arith.constant 0 : index
    %get3A_78 = vector.load %arg5[%get3A_75, %get3A_76, %get3A_77] : memref<4x128x128xf32, #tpu.memory_space<vmem>>, vector<1x128x128xf32>
    %get3A_79 = vector.shape_cast %get3A_78 : vector<1x128x128xf32> to vector<128x128xf32>
    %dot_general3A_80 = arith.constant dense<0.000000e+00> : vector<1000x128xf32>
    %dot_general3A_81 = tpu.matmul %get3A_8, %get3A_79, %dot_general3A_80 {dimension_numbers = #tpu.dot_dimension_numbers<[1], [0], [0], [1], [0, 0, 1, 1], [], []>, transpose_lhs_hint = false} : vector<1000x128xf32>, vector<128x128xf32>, vector<1000x128xf32> -> vector<1000x128xf32>
    %mul3A_82 = vector.broadcast %convert_element_type3A_64 : vector<1000x1xf32> to vector<1000x128xf32>
    %mul3A_83 = arith.mulf %dot_general3A_81, %mul3A_82 : vector<1000x128xf32>
    %add3A_84 = arith.addf %add3A_59, %mul3A_83 : vector<1000x128xf32>
    %eq3A_85 = arith.constant 3 : i32
    %eq3A_86 = vector.broadcast %eq3A_85 : i32 to vector<1000x1xi32>
    %eq3A_87 = arith.cmpi eq, %get3A_11, %eq3A_86 : vector<1000x1xi32>
    %convert_element_type3A_88 = arith.extui %eq3A_87 : vector<1000x1xi1> to vector<1000x1xi32>
    %convert_element_type3A_89 = arith.sitofp %convert_element_type3A_88 : vector<1000x1xi32> to vector<1000x1xf32>
    %get3A_90 = arith.constant 3 : index
    %get3A_91 = arith.constant 0 : index
    %get3A_92 = arith.constant 0 : index
    %get3A_93 = vector.load %arg4[%get3A_90, %get3A_91, %get3A_92] : memref<4x128x128xf32, #tpu.memory_space<vmem>>, vector<1x128x128xf32>
    %get3A_94 = vector.shape_cast %get3A_93 : vector<1x128x128xf32> to vector<128x128xf32>
    %dot_general3A_95 = arith.constant dense<0.000000e+00> : vector<1000x128xf32>
    %dot_general3A_96 = tpu.matmul %get3A_3, %get3A_94, %dot_general3A_95 {dimension_numbers = #tpu.dot_dimension_numbers<[1], [0], [0], [1], [0, 0, 1, 1], [], []>, transpose_lhs_hint = false} : vector<1000x128xf32>, vector<128x128xf32>, vector<1000x128xf32> -> vector<1000x128xf32>
    %mul3A_97 = vector.broadcast %convert_element_type3A_89 : vector<1000x1xf32> to vector<1000x128xf32>
    %mul3A_98 = arith.mulf %dot_general3A_96, %mul3A_97 : vector<1000x128xf32>
    %add3A_99 = arith.addf %add3A_74, %mul3A_98 : vector<1000x128xf32>
    %get3A_100 = arith.constant 3 : index
    %get3A_101 = arith.constant 0 : index
    %get3A_102 = arith.constant 0 : index
    %get3A_103 = vector.load %arg5[%get3A_100, %get3A_101, %get3A_102] : memref<4x128x128xf32, #tpu.memory_space<vmem>>, vector<1x128x128xf32>
    %get3A_104 = vector.shape_cast %get3A_103 : vector<1x128x128xf32> to vector<128x128xf32>
    %dot_general3A_105 = arith.constant dense<0.000000e+00> : vector<1000x128xf32>
    %dot_general3A_106 = tpu.matmul %get3A_8, %get3A_104, %dot_general3A_105 {dimension_numbers = #tpu.dot_dimension_numbers<[1], [0], [0], [1], [0, 0, 1, 1], [], []>, transpose_lhs_hint = false} : vector<1000x128xf32>, vector<128x128xf32>, vector<1000x128xf32> -> vector<1000x128xf32>
    %mul3A_107 = vector.broadcast %convert_element_type3A_89 : vector<1000x1xf32> to vector<1000x128xf32>
    %mul3A_108 = arith.mulf %dot_general3A_106, %mul3A_107 : vector<1000x128xf32>
    %add3A_109 = arith.addf %add3A_84, %mul3A_108 : vector<1000x128xf32>
    %mul3A_110 = arith.constant 2.500000e-01 : f32
    %mul3A_111 = vector.broadcast %mul3A_110 : f32 to vector<1000x128xf32>
    %mul3A_112 = arith.mulf %add3A_99, %mul3A_111 : vector<1000x128xf32>
    %swap3A = arith.constant 0 : index
    %swap3A_113 = arith.constant 0 : index
    %swap3A_114 = vector.load %arg6[%swap3A, %swap3A_113] : memref<1000x128xf32, #tpu.memory_space<vmem>>, vector<1000x128xf32>
    tpu.vector_store %arg6[%swap3A, %swap3A_113], %mul3A_112 {strides = array<i32>} : memref<1000x128xf32, #tpu.memory_space<vmem>>, vector<1000x128xf32>,
    %mul3A_115 = arith.constant 2.500000e-01 : f32
    %mul3A_116 = vector.broadcast %mul3A_115 : f32 to vector<1000x128xf32>
    %mul3A_117 = arith.mulf %add3A_109, %mul3A_116 : vector<1000x128xf32>
    %swap3A_118 = arith.constant 0 : index
    %swap3A_119 = arith.constant 0 : index
    %swap3A_120 = vector.load %arg7[%swap3A_118, %swap3A_119] : memref<1000x128xf32, #tpu.memory_space<vmem>>, vector<1000x128xf32>
    tpu.vector_store %arg7[%swap3A_118, %swap3A_119], %mul3A_117 {strides = array<i32>} : memref<1000x128xf32, #tpu.memory_space<vmem>>, vector<1000x128xf32>,
    return
  }
  func.func @transform_0(%arg0: i32) -> (i32, i32, i32) {
    %c0_i32 = arith.constant 0 : i32
    %c0_i32_0 = arith.constant 0 : i32
    %c0_i32_1 = arith.constant 0 : i32
    return %c0_i32, %arg0, %c0_i32_0 : i32, i32, i32
  }
  func.func @transform_1(%arg0: i32) -> (i32, i32, i32) {
    %c1_i32 = arith.constant 1 : i32
    %c0_i32 = arith.constant 0 : i32
    %c0_i32_0 = arith.constant 0 : i32
    return %c1_i32, %arg0, %c0_i32 : i32, i32, i32
  }
  func.func @transform_2(%arg0: i32) -> (i32, i32) {
    %c0_i32 = arith.constant 0 : i32
    %c0_i32_0 = arith.constant 0 : i32
    return %arg0, %c0_i32 : i32, i32
  }
  func.func @transform_3(%arg0: i32) -> (i32, i32, i32) {
    %c0_i32 = arith.constant 0 : i32
    %c0_i32_0 = arith.constant 0 : i32
    %c0_i32_1 = arith.constant 0 : i32
    %c0_i32_2 = arith.constant 0 : i32
    return %c0_i32, %c0_i32_0, %c0_i32_1 : i32, i32, i32
  }
  func.func @transform_4(%arg0: i32) -> (i32, i32, i32) {
    %c0_i32 = arith.constant 0 : i32
    %c0_i32_0 = arith.constant 0 : i32
    %c0_i32_1 = arith.constant 0 : i32
    %c0_i32_2 = arith.constant 0 : i32
    return %c0_i32, %c0_i32_0, %c0_i32_1 : i32, i32, i32
  }
  func.func @transform_5(%arg0: i32) -> (i32, i32) {
    %c0_i32 = arith.constant 0 : i32
    %c0_i32_0 = arith.constant 0 : i32
    return %arg0, %c0_i32 : i32, i32
  }
  func.func @transform_6(%arg0: i32) -> (i32, i32) {
    %c0_i32 = arith.constant 0 : i32
    %c0_i32_0 = arith.constant 0 : i32
    return %arg0, %c0_i32 : i32, i32
  }
}

</mosaic_0001>

<sc_bundles>
// kernel: kernel.4.cloned.1.call-start
scs
__scs_entry_jumppad:
0x0: {  	(pc) =	sbr.rel $0x88, $3  }
0x1: {  	(tag) =	ssettag $0x0;
	lr =	simm.s32 $0x1  }
0x2: {  	[smem:$0x3F9B] =	sst lr;
	_ =	strace $0xD0000000  }
0x3: {  	_ = 	snop  }
0x4: {  	_ = 	snop  }
0x5: {  	_ = 	snop  }
0x6: {  	_ = 	snop  }
0x7: {  	_ = 	snop  }
__scs_overlays_trampoline_lowered:
0x8: {  	[smem:$0x3FAA] =	sst s0  }
0x9: {  	[smem:$0x3FAB] =	sst s1  }
0xa: {  	[smem:$0x3FAC] =	sst s2  }
0xb: {  	[smem:$0x3FAD] =	sst s3  }
0xc: {  	[smem:$0x3FAE] =	sst s4  }
0xd: {  	[smem:$0x3FAF] =	sst s5  }
0xe: {  	[smem:$0x3FB0] =	sst s6  }
0xf: {  	[smem:$0x3FB1] =	sst s7  }
0x10: {  	[smem:$0x3FB2] =	sst s8  }
0x11: {  	[smem:$0x3FB3] =	sst s9;
	s0 =	simm.s32 @!p0 $0x0  }
0x12: {  	s1 =	sld [smem:$0x3F99];
	s0 =	simm.s32 @p0 $0x1  }
0x13: {  	[smem:$0x3FB4] =	sst s0;
	s0 =	simm.s32 @!p1 $0x0  }
0x14: {  	s2 =	sld [smem:$0x3F98];
	s0 =	simm.s32 @p1 $0x1  }
0x15: {  	[smem:$0x3FB5] =	sst s0;
	s0 =	simm.s32 @!p2 $0x0  }
0x16: {  	s3 =	sld [smem:$0x3FDB];
	s0 =	simm.s32 @p2 $0x1  }
0x17: {  	s4 =	simm.s32 $0x1BF5;
	[smem:$0x3FB7] =	sst s0  }
0x18: {  	s0 =	sld [smem:$0x3F9A];
	_ =	swait.ge [sflag:s4], $0x0  }
0x19: {  	s7 =	sld [smem:$0x3F9B]  }
0x1a: {  	s8 =	sadd.s32 $0xFFFFE003, lr  }
0x1b: {  	s9 =	sadd.s32 $0xFFFFFEF7, lr;
	s5 =	simm.s32 $0xFFFFFFFF;
	p2 =	slt.u32 s8, $0xFFFFF086  }
0x1c: {  	p1 =	slt.u32 s9, $0xF7A;
	s5 =	simm.s32 @!p2 $0x0  }
0x1d: {  	s5 =	simm.s32 @p1 $0x1;
	p0 =	seq.s32 s7, s2  }
0x1e: {  	s7 =	smul.u32 @!p0 $0xF7A, s2;
	p2 =	seq.s32 @!p0 s5, $0x0  }
0x1f: {  	s9 =	smul.u32 $0xF7A, s1;
	s8 =	simm.s32 @!p0 $0x1BF5;
	p2 =	por !p2, p0  }
0x20: {  	[sflag:s8] =	ssyncset.s32 @!p0 $0xFFFFF086;
	s6 =	sadd.s32 @!p0 s3, s7;
	s7 =	simm.s32 @!p0 $0x108  }
0x21: {  	s3 =	sadd.s32 s3, s9;
	s6 =	sadd.s32 @!p0 $0x88, s6;
	s7 =	simm.s32 @p2 $0x1082  }
0x22: {  	[simem:s7], [sflag:s8] =	dma.local @!p0 [hbm:s6], $0xF7A  }
0x23: {  	s9 =	sor.u32 $0xD0000000, s2;
	s6 =	simm.s32 $0x108;
	_ =	swait.ge @!p0 [sflag:s8], $0x0  }
0x24: {  	s3 =	sadd.s32 $0x88, s3;
	s6 =	simm.s32 @!p1 $0x1082;
	[sflag:s4] =	ssyncset.s32 $0xFFFFF086  }
0x25: {  	[simem:s6], [sflag:s4] =	dma.local [hbm:s3], $0xF7A  }
0x26: {  	[smem:$0x3F9B] =	sst s1;
	(tag) =	ssettag s2;
	_ =	strace s9  }
0x27: {  	s1 =	sld [smem:$0x3FAB]  }
0x28: {  	s2 =	sld [smem:$0x3FAC]  }
0x29: {  	s4 =	sld [smem:$0x3FAE]  }
0x2a: {  	p0 =	seq.s32 s5, $0x0;
	s5 =	sld [smem:$0x3FAF]  }
0x2b: {  	s6 =	sld [smem:$0x3FB0]  }
0x2c: {  	s7 =	sld [smem:$0x3FB1]  }
0x2d: {  	s3 =	simm.s32 $0x108;
	s8 =	sld [smem:$0x3FB2]  }
0x2e: {  	s3 =	simm.s32 @!p0 $0x1082;
	s9 =	sld [smem:$0x3FB3]  }
0x2f: {  	lr =	sadd.s32 s0, s3;
	s0 =	sld [smem:$0x3FAA]  }
0x30: {  	s3 =	sld [smem:$0x3FAD]  }
0x31: {  	[smem:$0x3FB6] =	sst s10  }
0x32: {  	s10 =	sld [smem:$0x3FB4];
	_ =	sdelay $0x3  }
0x33: {  	p0 =	seq.s32 s10, $0x1;
	s10 =	sld [smem:$0x3FB6];
	_ =	sdelay $0x3  }
0x34: {  	[smem:$0x3FB6] =	sst s10  }
0x35: {  	s10 =	sld [smem:$0x3FB5];
	_ =	sdelay $0x3  }
0x36: {  	p1 =	seq.s32 s10, $0x1;
	s10 =	sld [smem:$0x3FB6];
	_ =	sdelay $0x3  }
0x37: {  	[smem:$0x3FB6] =	sst s10  }
0x38: {  	s10 =	sld [smem:$0x3FB7]  }
0x39: {  	_ = 	snop;
	(pc) =	sbr.ind lr, $3  }
0x3a: {  	_ = 	snop  }
0x3b: {  	_ = 	snop  }
0x3c: {  	p2 =	seq.s32 s10, $0x1;
	s10 =	sld [smem:$0x3FB6]  }
0x3d: {  	_ =	shalt  }
0x3e: {  	_ =	shalt  }
0x3f: {  	_ =	shalt  }
0x40: {  	_ =	shalt  }
0x41: {  	_ =	shalt  }
0x42: {  	_ =	shalt  }
0x43: {  	_ =	shalt  }
0x44: {  	_ =	shalt  }
0x45: {  	_ =	shalt  }
0x46: {  	_ =	shalt  }
0x47: {  	_ =	shalt  }
0x48: {  	_ =	shalt  }
0x49: {  	_ =	shalt  }
0x4a: {  	_ =	shalt  }
0x4b: {  	_ =	shalt  }
0x4c: {  	_ =	shalt  }
0x4d: {  	_ =	shalt  }
0x4e: {  	_ =	shalt  }
0x4f: {  	_ =	shalt  }
0x50: {  	_ =	shalt  }
0x51: {  	_ =	shalt  }
0x52: {  	_ =	shalt  }
0x53: {  	_ =	shalt  }
0x54: {  	_ =	shalt  }
0x55: {  	_ =	shalt  }
0x56: {  	_ =	shalt  }
0x57: {  	_ =	shalt  }
0x58: {  	_ =	shalt  }
0x59: {  	_ =	shalt  }
0x5a: {  	_ =	shalt  }
0x5b: {  	_ =	shalt  }
0x5c: {  	_ =	shalt  }
0x5d: {  	_ =	shalt  }
0x5e: {  	_ =	shalt  }
0x5f: {  	_ =	shalt  }
0x60: {  	_ =	shalt  }
0x61: {  	_ =	shalt  }
0x62: {  	_ =	shalt  }
0x63: {  	_ =	shalt  }
0x64: {  	_ =	shalt  }
0x65: {  	_ =	shalt  }
0x66: {  	_ =	shalt  }
0x67: {  	_ =	shalt  }
0x68: {  	_ =	shalt  }
0x69: {  	_ =	shalt  }
0x6a: {  	_ =	shalt  }
0x6b: {  	_ =	shalt  }
0x6c: {  	_ =	shalt  }
0x6d: {  	_ =	shalt  }
0x6e: {  	_ =	shalt  }
0x6f: {  	_ =	shalt  }
0x70: {  	_ =	shalt  }
0x71: {  	_ =	shalt  }
0x72: {  	_ =	shalt  }
0x73: {  	_ =	shalt  }
0x74: {  	_ =	shalt  }
0x75: {  	_ =	shalt  }
0x76: {  	_ =	shalt  }
0x77: {  	_ =	shalt  }
0x78: {  	_ =	shalt  }
0x79: {  	_ =	shalt  }
0x7a: {  	_ =	shalt  }
0x7b: {  	_ =	shalt  }
0x7c: {  	_ =	shalt  }
0x7d: {  	_ =	shalt  }
0x7e: {  	_ =	shalt  }
0x7f: {  	_ =	shalt  }
0x80: {  	_ =	shalt  }
0x81: {  	_ =	shalt  }
0x82: {  	_ =	shalt  }
0x83: {  	_ =	shalt  }
0x84: {  	_ =	shalt  }
0x85: {  	_ =	shalt  }
0x86: {  	_ =	shalt  }
0x87: {  	_ =	shalt  }
.Lfunc_end0:
.L_simem_size_0:
called_computation_lowered:
.L_overlay_start_0:
0x88: {  	s2 =	sld [smem:$0x3FD9]  }
0x89: {  	s3 =	sld [smem:$0x3FFE];
	_ =	sdelay $0x1  }
0x8a: {  	s1 =	srdreg.scid  }
0x8b: {  	s0 =	sand.u32 $0x1, s1  }
0x8c: {  	s14 =	sshll.u32 s0, $0xA;
	s2 =	sadd.s32 s3, s2  }
0x8d: {  	s2 =	sadd.s32 s2, s14  }
0x8e: {  	[smem:$0x3FC2] =	sst s2  }
0x8f: {  	_ = 	snop  }
0x90: {  	s2 =	sld [smem:$0x3FD0];
	_ =	sdelay $0x2  }
0x91: {  	s15 =	simm.s32 $0xA;
	s4 =	simm.s32 $0x10  }
0x92: {  	[smem:s4], [sflag:s15] =	dma.local [hbm:s2], $0x1  }
0x93: {  	_ =	swait.eq [sflag:s15], $0x1  }
0x94: {  	[sflag:s15] =	ssyncset.done $0x0  }
0x95: {  	[sflag:s15] =	ssyncadd.s32 $0xFFFFFFFF  }
0x96: {  	s16 =	sld [smem:$0x11];
	(tm) =	ssettm $0x1  }
0x97: {  	s17 =	sld [smem:$0x3FFB];
	_ =	sdelay $0x3  }
0x98: {  	_ =	strace s17  }
0x99: {  	s3 =	sld [smem:$0x3FFC];
	_ =	sdelay $0x3  }
0x9a: {  	_ =	strace s3  }
0x9b: {  	s3 =	sld [smem:$0x3FFD];
	_ =	sdelay $0x3  }
0x9c: {  	_ =	strace s3  }
0x9d: {  	_ =	strace $0x8FFFFFFF  }
0x9e: {  	s18 =	sld [smem:$0x3FDB];
	_ =	sdelay $0x1  }
0x9f: {  	s19 =	simm.s32 $_scs_section_size  }
0xa0: {  	s5 =	simm.s32 $_size__tile_overlayer_lowered;
	s6 =	simm.s32 $_tile_overlayer_lowered  }
0xa1: {  	s22 =	simm.s32 $0x1BFF;
	s21 =	sshll.u32 s6, $0x1;
	s3 =	sadd.s32 s19, s18  }
0xa2: {  	s7 =	simm.s32 $0x0;
	s20 =	sshll.u32 s5, $0x1;
	s5 =	sadd.s32 s21, s3  }
0xa3: {  	[timem:s7], [sflag:s22] =	dma.local [hbm:s5], s20  }
0xa4: {  	_ =	swait.ge [sflag:s22], s20  }
0xa5: {  	s4 =	ssub.s32 $0x0, s20;
	[sflag:s22] =	ssyncset.done $0x0  }
0xa6: {  	[sflag:s22] =	ssyncadd.s32 s4;
	_ =	sdelay $0x1  }
0xa7: {  	s23 =	simm.s32 $0x1B8B  }
0xa8: {  	_ =	swait.ge [sflag:s23], $0x1  }
0xa9: {  	[sflag:s23] =	ssyncset.done $0x0  }
0xaa: {  	s25 =	simm.s32 $0x1B8E;
	s24 =	sld [smem:$0x3FFE];
	[sflag:s23] =	ssyncadd.s32 $0xFFFFFFFF  }
0xab: {  	s26 =	simm.s32 $execute0_lowered;
	[smem:$0x3FD2] =	sst s25  }
0xac: {  	s5 =	sshll.u32 s26, $0x1;
	_ =	strace $0x80000046;
	[dreg:$0x1] =	wrdreg $0xFFFFFFFF  }
0xad: {  	s28 =	simm.s32 $_size_execute0_lowered;
	s3 =	sadd.s32 s3, s5;
	[dreg:$0x0] =	wrdreg $0x0  }
0xae: {  	s5 =	sshll.u32 s28, $0x1;
	[dreg:$0x2] =	wrdreg s3  }
0xaf: {  	[dreg:$0x3] =	wrdreg s5  }
0xb0: {  	[dreg:$0x4] =	wrdreg $0xC0  }
0xb1: {  	_ =	task [dreg:s7], $0x5FFFF  }
0xb2: {  	[dreg:$0x1] =	wrdreg $0xFFFFFFFF  }
0xb3: {  	[dreg:$0x0] =	wrdreg $0x60  }
0xb4: {  	[dreg:$0x2] =	wrdreg s24  }
0xb5: {  	[dreg:$0x3] =	wrdreg s16  }
0xb6: {  	[dreg:$0x4] =	wrdreg $0x0  }
0xb7: {  	[dreg:$0x5] =	wrdreg $0x9  }
0xb8: {  	_ =	task.clear_ibuf [dreg:s7], $0x6FFFF;
	_ =	strace $0x90000046  }
0xb9: {  	s29 =	simm.s32 $0x9;
	_ =	strace $0x80000048  }
0xba: {  	_ =	swait.ge [sflag:s29], $0x1  }
0xbb: {  	[sflag:s29] =	ssyncadd.s32 $0xFFFFFFFF  }
0xbc: {  	_ =	strace $0x90000048  }
0xbd: {  	_ =	sfence  }
0xbe: {  	s30 =	sld [smem:$0x0];
	_ =	sdelay $0x2  }
0xbf: {  	s31 =	sshll.u32 s1, $0xD;
	s1 =	sshrl.u32 s1, $0x2  }
0xc0: {  	s3 =	sand.u32 $0x4000, s31;
	s1 =	sadd.s32 s1, s30  }
0xc1: {  	s0 =	sor.u32 s3, s0;
	s1 =	sshll.u32 s1, $0x11  }
0xc2: {  	s0 =	sor.u32 s1, s0  }
0xc3: {  	s0 =	sadd.s32 $0x8F2B, s0  }
0xc4: {  	[sflag:s0] =	ssyncadd.remote.s32 $0x1  }
0xc5: {  	_ =	sfence.sel $0xFFFF  }
0xc6: {  	[dreg:$0x0] =	wrdreg $0xFFFFFFFF;
	(pc) =	sbr.abs _section_cstart, $3  }
0xc7: {  	[dreg:$0x1] =	wrdreg $0xFFFFFFFF  }
0xc8: {  	_ =	task.clear_ibuf [dreg:s7], $0x2FFFF;
	_ =	strace $0x9FFFFFFF  }
0xc9: {  	(tm) =	ssettm $0x7FFFFFFF  }
tec
execute0_lowered:
.L_overlay_start_1:
0x0: {  	(tag) =	ssettag $0x1  }
0x1: {  	s0 =	rddreg [dreg:$0x0]  }
0x2: {  	s2 =	rddreg [dreg:$0x2];
	s1 =	srdreg.scid  }
0x3: {  	s4 =	simm.s32 $0x0;
	s10 =	stileid.u32;
	s30 =	simm.s32 $0x1B880  }
0x4: {  	s31 =	simm.s32 $0x3;
	s11 =	simm.s32 $0x13F80;
	s12 =	simm.s32 $0x13E00  }
0x5: {  	s29 =	simm.s32 $0x13900;
	s1 =	sand.u32 $0x1, s1;
	[smem:$0x7FF] =	sst s4  }
0x6: {  	s5 =	sadd.s32 $0x3FA00, s0;
	s6 =	sadd.s32 $0x1200, s0;
	s8 =	smul.u32 $0x4E200, s10  }
0x7: {  	s15 =	smul.u32 $0xFA00, s10;
	s3 =	sshll.u32 s1, $0x4;
	_ =	strace $0x80000047  }
0x8: {  	s13 =	ssub.s32 $0x2, s1;
	s1 =	smul.u32 $0xFA000, s1;
	s3 =	sor.u32 s10, s3  }
0x9: {  	s9 =	sshrl.u32 s13, $0x1;
	s8 =	sshrl.u32 s8, $0x2;
	s7 =	smul.u32 $0x2780, s3  }
0xa: {  	s10 =	simm.s32 $0x13D00;
	s3 =	smul.u32 $0xFA00, s3;
	s8 =	sadd.s32 s8, s2  }
0xb: {  	s1 =	sadd.s32 s15, s1;
	s15 =	simm.s32 $0x0;
	[dreg:$0xa] =	wrdreg s8  }
0xc: {  	s20 =	sadd.s32 $0xC00, s1;
	s22 =	sadd.s32 $0xA00, s1;
	s23 =	sadd.s32 $0x600, s1  }
0xd: {  	s26 =	sadd.s32 $0x800, s1;
	s1 =	simm.s32 $0x13E80;
	s8 =	simm.s32 $0x13D80  }
0xe: {  	s0 =	sadd.s32 s7, s0;
	s3 =	sshrl.u32 s3, $0x3;
	s7 =	ssub.s32 s13, s9  }
0xf: {  	s25 =	sshrl.u32 s23, $0x3;
	[dreg:$0xf] =	wrdreg s26;
	s23 =	simm.s32 $0x16880  }
0x10: {  	s26 =	simm.s32 $0x2;
	s9 =	simm.s32 $0x13C00;
	s14 =	sadd.s32 s6, s3  }
0x11: {  	s13 =	simm.s32 $0x13F00;
	s0 =	sadd.s32 $0x8DC00, s0;
	[dreg:$0x7] =	wrdreg s14  }
0x12: {  	s21 =	smax.u32 s7, $0x1;
	s3 =	sshrl.u32 s22, $0x3;
	[dreg:$0xd] =	wrdreg s0  }
0x13: {  	s28 =	sadd.s32 s25, s6;
	s22 =	simm.s32 $0x4;
	[dreg:$0xe] =	wrdreg s21  }
0x14: {  	s16 =	sadd.s32 $0x40, s14;
	s17 =	sadd.s32 $0x80, s14;
	[dreg:$0x6] =	wrdreg s28  }
0x15: {  	s18 =	sadd.s32 $0x1EC0, s14;
	s19 =	sadd.s32 $0x1F00, s14;
	[dreg:$0x8] =	wrdreg s16  }
0x16: {  	s0 =	sshrl.u32 s20, $0x3;
	s24 =	sadd.s32 s3, s6;
	[dreg:$0x9] =	wrdreg s17  }
0x17: {  	s20 =	simm.s32 $0x50;
	s21 =	simm.s32 $0x14080;
	[dreg:$0xb] =	wrdreg s18  }
0x18: {  	s3 =	simm.s32 $0x13B00;
	s14 =	simm.s32 $0x14000;
	[dreg:$0xc] =	wrdreg s19  }
0x19: {  	s0 =	sadd.s32 s0, s6;
	[dreg:$0x5] =	wrdreg s24;
	s16 =	simm.s32 $0x13880  }
0x1a: {  	s17 =	simm.s32 $0x13A80;
	s18 =	simm.s32 $0x13C80;
	s19 =	simm.s32 $0x1  }
0x1b: {  	s24 =	simm.s32 $0x19080;
	[dreg:$0x4] =	wrdreg s0;
	s0 =	simm.s32 $0x13A00  }
.LBB2_1:
0x1c: {  	[dreg:$0x10] =	wrdreg s15  }
0x1d: {  	s7 =	rddreg [dreg:$0x7]  }
0x1e: {  	[tilespmem:s16], [sflag:$0x1] =	stream.linear.gather [hbm4b:s7+s4], $0x200, $0x38;
	[tilespmem:$0x1E080] =	vst v63  }
0x1f: {  	s25 =	rddreg [dreg:$0x8]  }
0x20: {  	[tilespmem:s17], [sflag:$0x1] =	stream.linear.gather [hbm4b:s25+s4], $0x200, $0x38;
	[tilespmem:$0x1E080] =	vst v63  }
0x21: {  	s15 =	rddreg [dreg:$0x9]  }
0x22: {  	[tilespmem:s18], [sflag:$0x1] =	stream.linear.gather [hbm4b:s15+s4], $0x200, $0x38;
	[tilespmem:$0x1E080] =	vst v63  }
0x23: {  	_ =	swait.ge [sflag:s19], $0x200  }
0x24: {  	[sflag:s19] =	ssyncset.done $0x0  }
0x25: {  	s25 =	stileid.u32;
	[sflag:s19] =	ssyncadd.s32 $0xFFFFFE00  }
0x26: {  	[tilespmem:s21], [sflag:$0x2] =	stream.indirect.gather [hbm4b:s5+s20], $0x80, s16, s20, $0xb8;
	[tilespmem:$0x1E080] =	vst v63  }
0x27: {  	s7 =	sshll.u32 s25, $0x6;
	s15 =	simm.s32 $0x13980  }
0x28: {  	[tilespmem:s23], [sflag:$0x2] =	stream.indirect.gather [hbm4b:s5+s20], $0x80, s15, s20, $0xb8;
	[tilespmem:$0x1E080] =	vst v63  }
0x29: {  	s25 =	sor.u32 $0x1C04, s7;
	_ =	swait.ge [sflag:s19], $0x200  }
0x2a: {  	[dreg:$0x11] =	wrdreg s25;
	[sflag:s19] =	ssyncset.done $0x0  }
0x2b: {  	s7 =	rddreg [dreg:$0xa];
	[sflag:s19] =	ssyncadd.s32 $0xFFFFFE00  }
0x2c: {  	[tilespmem:s24], [sflag:$0x2] =	stream.indirect.gather [hbm4b:s5+s20], $0x80, s17, s20, $0xb8;
	[tilespmem:$0x1E080] =	vst v63  }
0x2d: {  	s28 =	sshrl.u32 s7, $0x3;
	s7 =	rddreg [dreg:$0x1]  }
0x2e: {  	[dreg:$0x12] =	wrdreg s28  }
0x2f: {  	[spmem:s28], [sflag:s25] =	dma.local [hbm:s7], $0x2710  }
0x30: {  	_ =	swait.ge [sflag:s22], $0x2710  }
0x31: {  	[sflag:s22] =	ssyncset.done $0x0  }
0x32: {  	[sflag:s22] =	ssyncadd.s32 $0xFFFFD8F0  }
0x33: {  	[bflag:$0x0] =	sbarrier.arrive $0xFFFF  }
0x34: {  	_ =	swait.ge [sflag:s26], $0x2800  }
0x35: {  	[sflag:s26] =	ssyncset.done $0x0  }
0x36: {  	s25 =	simm.s32 $0x13900;
	[sflag:s26] =	ssyncadd.s32 $0xFFFFD800  }
0x37: {  	[spmem:s2] =	stream.indirect.scatter.add.f32 [tilespmem:s21], [sflag:$0x3], $0x80, s25, s20, $0xb8;
	[tilespmem:$0x1E080] =	vst v63  }
0x38: {  	s22 =	simm.s32 $0x13B80  }
0x39: {  	[tilespmem:s30], [sflag:$0x2] =	stream.indirect.gather [hbm4b:s5+s20], $0x80, s22, s20, $0xb8;
	[tilespmem:$0x1E080] =	vst v63  }
0x3a: {  	_ =	swait.ge [sflag:s31], $0x2800  }
0x3b: {  	[sflag:s31] =	ssyncset.done $0x0  }
0x3c: {  	[sflag:s31] =	ssyncadd.s32 $0xFFFFD800  }
0x3d: {  	_ =	swait.ge [sflag:s26], $0x2800  }
0x3e: {  	[sflag:s26] =	ssyncset.done $0x0  }
0x3f: {  	[sflag:s26] =	ssyncadd.s32 $0xFFFFD800  }
0x40: {  	[spmem:s2] =	stream.indirect.scatter.add.f32 [tilespmem:s23], [sflag:$0x3], $0x80, s0, s20, $0xb8;
	[tilespmem:$0x1E080] =	vst v63  }
0x41: {  	_ =	swait.ge [sflag:s19], $0x200  }
0x42: {  	[sflag:s19] =	ssyncset.done $0x0  }
0x43: {  	[sflag:s19] =	ssyncadd.s32 $0xFFFFFE00  }
0x44: {  	[tilespmem:s21], [sflag:$0x2] =	stream.indirect.gather [hbm4b:s5+s20], $0x80, s18, s20, $0xb8;
	[tilespmem:$0x1E080] =	vst v63  }
0x45: {  	_ =	swait.ge [sflag:s31], $0x2800  }
0x46: {  	s22 =	rddreg [dreg:$0x6];
	[sflag:s31] =	ssyncset.done $0x0  }
0x47: {  	[sflag:s31] =	ssyncadd.s32 $0xFFFFD800;
	s7 =	sadd.s32 $0x0, s22  }
0x48: {  	[tilespmem:s1], [sflag:$0x1] =	stream.linear.gather [hbm4b:s7+s4], $0x200, $0x38;
	[tilespmem:$0x1E080] =	vst v63  }
0x49: {  	_ =	swait.ge [sflag:s26], $0x2800  }
0x4a: {  	[sflag:s26] =	ssyncset.done $0x0  }
0x4b: {  	[sflag:s26] =	ssyncadd.s32 $0xFFFFD800  }
0x4c: {  	[spmem:s2] =	stream.indirect.scatter.add.f32 [tilespmem:s24], [sflag:$0x3], $0x80, s3, s20, $0xb8;
	[tilespmem:$0x1E080] =	vst v63  }
0x4d: {  	_ = 	snop  }
0x4e: {  	[tilespmem:s23], [sflag:$0x2] =	stream.indirect.gather [hbm4b:s5+s20], $0x80, s8, s20, $0xb8;
	[tilespmem:$0x1E080] =	vst v63  }
0x4f: {  	_ =	swait.ge [sflag:s31], $0x2800  }
0x50: {  	[sflag:s31] =	ssyncset.done $0x0  }
0x51: {  	[sflag:s31] =	ssyncadd.s32 $0xFFFFD800  }
0x52: {  	_ =	swait.ge [sflag:s26], $0x2800  }
0x53: {  	[sflag:s26] =	ssyncset.done $0x0  }
0x54: {  	[sflag:s26] =	ssyncadd.s32 $0xFFFFD800  }
0x55: {  	[spmem:s2] =	stream.indirect.scatter.add.f32 [tilespmem:s30], [sflag:$0x3], $0x80, s9, s20, $0xb8;
	[tilespmem:$0x1E080] =	vst v63  }
0x56: {  	_ =	swait.ge [sflag:s19], $0x200  }
0x57: {  	[sflag:s19] =	ssyncset.done $0x0  }
0x58: {  	[sflag:s19] =	ssyncadd.s32 $0xFFFFFE00  }
0x59: {  	[tilespmem:s24], [sflag:$0x2] =	stream.indirect.gather [hbm4b:s5+s20], $0x80, s1, s20, $0xb8;
	[tilespmem:$0x1E080] =	vst v63  }
0x5a: {  	_ =	swait.ge [sflag:s31], $0x2800  }
0x5b: {  	s22 =	rddreg [dreg:$0xf]  }
0x5c: {  	[sflag:s31] =	ssyncset.done $0x0;
	s7 =	sshrl.u32 s22, $0x3  }
0x5d: {  	[sflag:s31] =	ssyncadd.s32 $0xFFFFD800;
	s7 =	sadd.s32 s6, s7  }
0x5e: {  	[tilespmem:s16], [sflag:$0x1] =	stream.linear.gather [hbm4b:s7+s4], $0x200, $0x38;
	[tilespmem:$0x1E080] =	vst v63  }
0x5f: {  	_ =	swait.ge [sflag:s26], $0x2800  }
0x60: {  	[sflag:s26] =	ssyncset.done $0x0  }
0x61: {  	[sflag:s26] =	ssyncadd.s32 $0xFFFFD800  }
0x62: {  	[spmem:s2] =	stream.indirect.scatter.add.f32 [tilespmem:s21], [sflag:$0x3], $0x80, s10, s20, $0xb8;
	[tilespmem:$0x1E080] =	vst v63  }
0x63: {  	_ = 	snop  }
0x64: {  	[tilespmem:s30], [sflag:$0x2] =	stream.indirect.gather [hbm4b:s5+s20], $0x80, s11, s20, $0xb8;
	[tilespmem:$0x1E080] =	vst v63  }
0x65: {  	_ =	swait.ge [sflag:s31], $0x2800  }
0x66: {  	[sflag:s31] =	ssyncset.done $0x0  }
0x67: {  	[sflag:s31] =	ssyncadd.s32 $0xFFFFD800  }
0x68: {  	_ =	swait.ge [sflag:s26], $0x2800  }
0x69: {  	[sflag:s26] =	ssyncset.done $0x0  }
0x6a: {  	[sflag:s26] =	ssyncadd.s32 $0xFFFFD800  }
0x6b: {  	[spmem:s2] =	stream.indirect.scatter.add.f32 [tilespmem:s23], [sflag:$0x3], $0x80, s12, s20, $0xb8;
	[tilespmem:$0x1E080] =	vst v63  }
0x6c: {  	_ =	swait.ge [sflag:s19], $0x200  }
0x6d: {  	[sflag:s19] =	ssyncset.done $0x0  }
0x6e: {  	[sflag:s19] =	ssyncadd.s32 $0xFFFFFE00  }
0x6f: {  	[tilespmem:s21], [sflag:$0x2] =	stream.indirect.gather [hbm4b:s5+s20], $0x80, s16, s20, $0xb8;
	[tilespmem:$0x1E080] =	vst v63  }
0x70: {  	_ =	swait.ge [sflag:s31], $0x2800  }
0x71: {  	s7 =	rddreg [dreg:$0x5];
	[sflag:s31] =	ssyncset.done $0x0  }
0x72: {  	[sflag:s31] =	ssyncadd.s32 $0xFFFFD800;
	s7 =	sadd.s32 $0x0, s7  }
0x73: {  	[tilespmem:s17], [sflag:$0x1] =	stream.linear.gather [hbm4b:s7+s4], $0x200, $0x38;
	[tilespmem:$0x1E080] =	vst v63  }
0x74: {  	_ =	swait.ge [sflag:s26], $0x2800  }
0x75: {  	[sflag:s26] =	ssyncset.done $0x0  }
0x76: {  	[sflag:s26] =	ssyncadd.s32 $0xFFFFD800  }
0x77: {  	[spmem:s2] =	stream.indirect.scatter.add.f32 [tilespmem:s24], [sflag:$0x3], $0x80, s13, s20, $0xb8;
	[tilespmem:$0x1E080] =	vst v63  }
0x78: {  	_ = 	snop  }
0x79: {  	[tilespmem:s23], [sflag:$0x2] =	stream.indirect.gather [hbm4b:s5+s20], $0x80, s15, s20, $0xb8;
	[tilespmem:$0x1E080] =	vst v63  }
0x7a: {  	_ =	swait.ge [sflag:s31], $0x2800  }
0x7b: {  	[sflag:s31] =	ssyncset.done $0x0  }
0x7c: {  	[sflag:s31] =	ssyncadd.s32 $0xFFFFD800  }
0x7d: {  	_ =	swait.ge [sflag:s26], $0x2800  }
0x7e: {  	[sflag:s26] =	ssyncset.done $0x0  }
0x7f: {  	[sflag:s26] =	ssyncadd.s32 $0xFFFFD800  }
0x80: {  	[spmem:s2] =	stream.indirect.scatter.add.f32 [tilespmem:s30], [sflag:$0x3], $0x80, s14, s20, $0xb8;
	[tilespmem:$0x1E080] =	vst v63  }
0x81: {  	_ =	swait.ge [sflag:s19], $0x200  }
0x82: {  	[sflag:s19] =	ssyncset.done $0x0  }
0x83: {  	[sflag:s19] =	ssyncadd.s32 $0xFFFFFE00  }
0x84: {  	[tilespmem:s24], [sflag:$0x2] =	stream.indirect.gather [hbm4b:s5+s20], $0x80, s17, s20, $0xb8;
	[tilespmem:$0x1E080] =	vst v63  }
0x85: {  	_ =	swait.ge [sflag:s31], $0x2800  }
0x86: {  	s15 =	rddreg [dreg:$0x4];
	[sflag:s31] =	ssyncset.done $0x0  }
0x87: {  	[sflag:s31] =	ssyncadd.s32 $0xFFFFD800;
	s7 =	sadd.s32 $0x0, s15  }
0x88: {  	[tilespmem:s18], [sflag:$0x1] =	stream.linear.gather [hbm4b:s7+s4], $0x200, $0x38;
	[tilespmem:$0x1E080] =	vst v63  }
0x89: {  	_ =	swait.ge [sflag:s26], $0x2800  }
0x8a: {  	[sflag:s26] =	ssyncset.done $0x0  }
0x8b: {  	[sflag:s26] =	ssyncadd.s32 $0xFFFFD800  }
0x8c: {  	[spmem:s2] =	stream.indirect.scatter.add.f32 [tilespmem:s21], [sflag:$0x3], $0x80, s25, s20, $0xb8;
	[tilespmem:$0x1E080] =	vst v63  }
0x8d: {  	s28 =	simm.s32 $0x13980;
	s15 =	simm.s32 $0x100;
	s25 =	sadd.s32 $0x800, s22  }
.LBB2_2:
0x8e: {  	s7 =	simm.s32 $0x13B80  }
0x8f: {  	[tilespmem:s30], [sflag:$0x2] =	stream.indirect.gather [hbm4b:s5+s20], $0x80, s7, s20, $0xb8;
	[tilespmem:$0x1E080] =	vst v63  }
0x90: {  	_ =	swait.ge [sflag:s31], $0x2800  }
0x91: {  	[sflag:s31] =	ssyncset.done $0x0  }
0x92: {  	[sflag:s31] =	ssyncadd.s32 $0xFFFFD800  }
0x93: {  	_ =	swait.ge [sflag:s26], $0x2800  }
0x94: {  	[sflag:s26] =	ssyncset.done $0x0  }
0x95: {  	[sflag:s26] =	ssyncadd.s32 $0xFFFFD800  }
0x96: {  	[spmem:s2] =	stream.indirect.scatter.add.f32 [tilespmem:s23], [sflag:$0x3], $0x80, s0, s20, $0xb8;
	[tilespmem:$0x1E080] =	vst v63  }
0x97: {  	_ =	swait.ge [sflag:s19], $0x200  }
0x98: {  	[sflag:s19] =	ssyncset.done $0x0  }
0x99: {  	[sflag:s19] =	ssyncadd.s32 $0xFFFFFE00  }
0x9a: {  	[tilespmem:s21], [sflag:$0x2] =	stream.indirect.gather [hbm4b:s5+s20], $0x80, s18, s20, $0xb8;
	[tilespmem:$0x1E080] =	vst v63  }
0x9b: {  	_ =	swait.ge [sflag:s31], $0x2800  }
0x9c: {  	s7 =	smov.u32 s15;
	s22 =	rddreg [dreg:$0x6];
	[sflag:s31] =	ssyncset.done $0x0  }
0x9d: {  	[sflag:s31] =	ssyncadd.s32 $0xFFFFD800;
	s22 =	sadd.s32 s7, s22  }
0x9e: {  	[tilespmem:s1], [sflag:$0x1] =	stream.linear.gather [hbm4b:s22+s4], $0x200, $0x38;
	[tilespmem:$0x1E080] =	vst v63  }
0x9f: {  	_ =	swait.ge [sflag:s26], $0x2800  }
0xa0: {  	[sflag:s26] =	ssyncset.done $0x0  }
0xa1: {  	[sflag:s26] =	ssyncadd.s32 $0xFFFFD800  }
0xa2: {  	[spmem:s2] =	stream.indirect.scatter.add.f32 [tilespmem:s24], [sflag:$0x3], $0x80, s3, s20, $0xb8;
	[tilespmem:$0x1E080] =	vst v63  }
0xa3: {  	_ = 	snop  }
0xa4: {  	[tilespmem:s23], [sflag:$0x2] =	stream.indirect.gather [hbm4b:s5+s20], $0x80, s8, s20, $0xb8;
	[tilespmem:$0x1E080] =	vst v63  }
0xa5: {  	_ =	swait.ge [sflag:s31], $0x2800  }
0xa6: {  	[sflag:s31] =	ssyncset.done $0x0  }
0xa7: {  	[sflag:s31] =	ssyncadd.s32 $0xFFFFD800  }
0xa8: {  	_ =	swait.ge [sflag:s26], $0x2800  }
0xa9: {  	[sflag:s26] =	ssyncset.done $0x0  }
0xaa: {  	[sflag:s26] =	ssyncadd.s32 $0xFFFFD800  }
0xab: {  	[spmem:s2] =	stream.indirect.scatter.add.f32 [tilespmem:s30], [sflag:$0x3], $0x80, s9, s20, $0xb8;
	[tilespmem:$0x1E080] =	vst v63  }
0xac: {  	_ =	swait.ge [sflag:s19], $0x200  }
0xad: {  	[sflag:s19] =	ssyncset.done $0x0  }
0xae: {  	[sflag:s19] =	ssyncadd.s32 $0xFFFFFE00  }
0xaf: {  	[tilespmem:s24], [sflag:$0x2] =	stream.indirect.gather [hbm4b:s5+s20], $0x80, s1, s20, $0xb8;
	[tilespmem:$0x1E080] =	vst v63  }
0xb0: {  	_ =	swait.ge [sflag:s31], $0x2800  }
0xb1: {  	s22 =	sshrl.u32 s25, $0x3;
	[sflag:s31] =	ssyncset.done $0x0  }
0xb2: {  	s22 =	sadd.s32 s6, s22;
	[sflag:s31] =	ssyncadd.s32 $0xFFFFD800  }
0xb3: {  	[tilespmem:s16], [sflag:$0x1] =	stream.linear.gather [hbm4b:s22+s4], $0x200, $0x38;
	[tilespmem:$0x1E080] =	vst v63  }
0xb4: {  	_ =	swait.ge [sflag:s26], $0x2800  }
0xb5: {  	[sflag:s26] =	ssyncset.done $0x0  }
0xb6: {  	[sflag:s26] =	ssyncadd.s32 $0xFFFFD800  }
0xb7: {  	[spmem:s2] =	stream.indirect.scatter.add.f32 [tilespmem:s21], [sflag:$0x3], $0x80, s10, s20, $0xb8;
	[tilespmem:$0x1E080] =	vst v63  }
0xb8: {  	_ = 	snop  }
0xb9: {  	[tilespmem:s30], [sflag:$0x2] =	stream.indirect.gather [hbm4b:s5+s20], $0x80, s11, s20, $0xb8;
	[tilespmem:$0x1E080] =	vst v63  }
0xba: {  	_ =	swait.ge [sflag:s31], $0x2800  }
0xbb: {  	[sflag:s31] =	ssyncset.done $0x0  }
0xbc: {  	[sflag:s31] =	ssyncadd.s32 $0xFFFFD800  }
0xbd: {  	_ =	swait.ge [sflag:s26], $0x2800  }
0xbe: {  	[sflag:s26] =	ssyncset.done $0x0  }
0xbf: {  	[sflag:s26] =	ssyncadd.s32 $0xFFFFD800  }
0xc0: {  	[spmem:s2] =	stream.indirect.scatter.add.f32 [tilespmem:s23], [sflag:$0x3], $0x80, s12, s20, $0xb8;
	[tilespmem:$0x1E080] =	vst v63  }
0xc1: {  	_ =	swait.ge [sflag:s19], $0x200  }
0xc2: {  	[sflag:s19] =	ssyncset.done $0x0  }
0xc3: {  	[sflag:s19] =	ssyncadd.s32 $0xFFFFFE00  }
0xc4: {  	[tilespmem:s21], [sflag:$0x2] =	stream.indirect.gather [hbm4b:s5+s20], $0x80, s16, s20, $0xb8;
	[tilespmem:$0x1E080] =	vst v63  }
0xc5: {  	_ =	swait.ge [sflag:s31], $0x2800  }
0xc6: {  	s22 =	rddreg [dreg:$0x5];
	[sflag:s31] =	ssyncset.done $0x0  }
0xc7: {  	[sflag:s31] =	ssyncadd.s32 $0xFFFFD800;
	s22 =	sadd.s32 s7, s22  }
0xc8: {  	[tilespmem:s17], [sflag:$0x1] =	stream.linear.gather [hbm4b:s22+s4], $0x200, $0x38;
	[tilespmem:$0x1E080] =	vst v63  }
0xc9: {  	_ =	swait.ge [sflag:s26], $0x2800  }
0xca: {  	[sflag:s26] =	ssyncset.done $0x0  }
0xcb: {  	[sflag:s26] =	ssyncadd.s32 $0xFFFFD800  }
0xcc: {  	[spmem:s2] =	stream.indirect.scatter.add.f32 [tilespmem:s24], [sflag:$0x3], $0x80, s13, s20, $0xb8;
	[tilespmem:$0x1E080] =	vst v63  }
0xcd: {  	_ = 	snop  }
0xce: {  	[tilespmem:s23], [sflag:$0x2] =	stream.indirect.gather [hbm4b:s5+s20], $0x80, s28, s20, $0xb8;
	[tilespmem:$0x1E080] =	vst v63  }
0xcf: {  	_ =	swait.ge [sflag:s31], $0x2800  }
0xd0: {  	[sflag:s31] =	ssyncset.done $0x0  }
0xd1: {  	[sflag:s31] =	ssyncadd.s32 $0xFFFFD800  }
0xd2: {  	_ =	swait.ge [sflag:s26], $0x2800  }
0xd3: {  	[sflag:s26] =	ssyncset.done $0x0  }
0xd4: {  	[sflag:s26] =	ssyncadd.s32 $0xFFFFD800  }
0xd5: {  	[spmem:s2] =	stream.indirect.scatter.add.f32 [tilespmem:s30], [sflag:$0x3], $0x80, s14, s20, $0xb8;
	[tilespmem:$0x1E080] =	vst v63  }
0xd6: {  	_ =	swait.ge [sflag:s19], $0x200  }
0xd7: {  	[sflag:s19] =	ssyncset.done $0x0  }
0xd8: {  	[sflag:s19] =	ssyncadd.s32 $0xFFFFFE00  }
0xd9: {  	[tilespmem:s24], [sflag:$0x2] =	stream.indirect.gather [hbm4b:s5+s20], $0x80, s17, s20, $0xb8;
	[tilespmem:$0x1E080] =	vst v63  }
0xda: {  	_ =	swait.ge [sflag:s31], $0x2800  }
0xdb: {  	s22 =	rddreg [dreg:$0x4];
	[sflag:s31] =	ssyncset.done $0x0  }
0xdc: {  	p0 =	sne.s32 s15, $0x1D00;
	[sflag:s31] =	ssyncadd.s32 $0xFFFFD800;
	s7 =	sadd.s32 s7, s22  }
0xdd: {  	[tilespmem:s18], [sflag:$0x1] =	stream.linear.gather [hbm4b:s7+s4], $0x200, $0x38;
	[tilespmem:$0x1E080] =	vst v63  }
.Ltmp0:
0xde: {  	_ = 	snop;
	(pc) =	sbr.rel @p0 .LBB2_2-.Ltmp0, $4  }
0xdf: {  	_ =	swait.ge [sflag:s26], $0x2800  }
0xe0: {  	[sflag:s26] =	ssyncset.done $0x0  }
0xe1: {  	s15 =	sadd.s32 $0x100, s15;
	s25 =	sadd.s32 $0x800, s25;
	[sflag:s26] =	ssyncadd.s32 $0xFFFFD800  }
0xe2: {  	[spmem:s2] =	stream.indirect.scatter.add.f32 [tilespmem:s21], [sflag:$0x3], $0x80, s29, s20, $0xb8;
	[tilespmem:$0x1E080] =	vst v63  }
0xe3: {  	s7 =	simm.s32 $0x13B80  }
0xe4: {  	[tilespmem:s30], [sflag:$0x2] =	stream.indirect.gather [hbm4b:s5+s20], $0x80, s7, s20, $0xb8;
	[tilespmem:$0x1E080] =	vst v63  }
0xe5: {  	_ =	swait.ge [sflag:s31], $0x2800  }
0xe6: {  	[sflag:s31] =	ssyncset.done $0x0  }
0xe7: {  	[sflag:s31] =	ssyncadd.s32 $0xFFFFD800  }
0xe8: {  	_ =	swait.ge [sflag:s26], $0x2800  }
0xe9: {  	[sflag:s26] =	ssyncset.done $0x0  }
0xea: {  	[sflag:s26] =	ssyncadd.s32 $0xFFFFD800  }
0xeb: {  	[spmem:s2] =	stream.indirect.scatter.add.f32 [tilespmem:s23], [sflag:$0x3], $0x80, s0, s20, $0xb8;
	[tilespmem:$0x1E080] =	vst v63  }
0xec: {  	_ =	swait.ge [sflag:s19], $0x200  }
0xed: {  	[sflag:s19] =	ssyncset.done $0x0  }
0xee: {  	[sflag:s19] =	ssyncadd.s32 $0xFFFFFE00  }
0xef: {  	[tilespmem:s21], [sflag:$0x2] =	stream.indirect.gather [hbm4b:s5+s20], $0x80, s18, s20, $0xb8;
	[tilespmem:$0x1E080] =	vst v63  }
0xf0: {  	_ =	swait.ge [sflag:s31], $0x2800  }
0xf1: {  	[sflag:s31] =	ssyncset.done $0x0  }
0xf2: {  	s22 =	rddreg [dreg:$0xb];
	[sflag:s31] =	ssyncadd.s32 $0xFFFFD800  }
0xf3: {  	[tilespmem:s1], [sflag:$0x1] =	stream.linear.gather [hbm4b:s22+s4], $0x200, $0x38;
	[tilespmem:$0x1E080] =	vst v63  }
0xf4: {  	_ =	swait.ge [sflag:s26], $0x2800  }
0xf5: {  	[sflag:s26] =	ssyncset.done $0x0  }
0xf6: {  	[sflag:s26] =	ssyncadd.s32 $0xFFFFD800  }
0xf7: {  	[spmem:s2] =	stream.indirect.scatter.add.f32 [tilespmem:s24], [sflag:$0x3], $0x80, s3, s20, $0xb8;
	[tilespmem:$0x1E080] =	vst v63  }
0xf8: {  	_ = 	snop  }
0xf9: {  	[tilespmem:s23], [sflag:$0x2] =	stream.indirect.gather [hbm4b:s5+s20], $0x80, s8, s20, $0xb8;
	[tilespmem:$0x1E080] =	vst v63  }
0xfa: {  	_ =	swait.ge [sflag:s31], $0x2800  }
0xfb: {  	[sflag:s31] =	ssyncset.done $0x0  }
0xfc: {  	[sflag:s31] =	ssyncadd.s32 $0xFFFFD800  }
0xfd: {  	_ =	swait.ge [sflag:s26], $0x2800  }
0xfe: {  	[sflag:s26] =	ssyncset.done $0x0  }
0xff: {  	[sflag:s26] =	ssyncadd.s32 $0xFFFFD800  }
0x100: {  	[spmem:s2] =	stream.indirect.scatter.add.f32 [tilespmem:s30], [sflag:$0x3], $0x80, s9, s20, $0xb8;
	[tilespmem:$0x1E080] =	vst v63  }
0x101: {  	_ =	swait.ge [sflag:s19], $0x200  }
0x102: {  	[sflag:s19] =	ssyncset.done $0x0  }
0x103: {  	[sflag:s19] =	ssyncadd.s32 $0xFFFFFE00  }
0x104: {  	[tilespmem:s24], [sflag:$0x2] =	stream.indirect.gather [hbm4b:s5+s20], $0x80, s1, s20, $0xb8;
	[tilespmem:$0x1E080] =	vst v63  }
0x105: {  	_ =	swait.ge [sflag:s31], $0x2800  }
0x106: {  	[sflag:s31] =	ssyncset.done $0x0  }
0x107: {  	s25 =	rddreg [dreg:$0xc];
	[sflag:s31] =	ssyncadd.s32 $0xFFFFD800  }
0x108: {  	[tilespmem:s16], [sflag:$0x1] =	stream.linear.gather [hbm4b:s25+s4], $0x200, $0x38;
	[tilespmem:$0x1E080] =	vst v63  }
0x109: {  	_ =	swait.ge [sflag:s26], $0x2800  }
0x10a: {  	[sflag:s26] =	ssyncset.done $0x0  }
0x10b: {  	[sflag:s26] =	ssyncadd.s32 $0xFFFFD800  }
0x10c: {  	[spmem:s2] =	stream.indirect.scatter.add.f32 [tilespmem:s21], [sflag:$0x3], $0x80, s10, s20, $0xb8;
	[tilespmem:$0x1E080] =	vst v63  }
0x10d: {  	_ = 	snop  }
0x10e: {  	[tilespmem:s30], [sflag:$0x2] =	stream.indirect.gather [hbm4b:s5+s20], $0x80, s11, s20, $0xb8;
	[tilespmem:$0x1E080] =	vst v63  }
0x10f: {  	_ =	swait.ge [sflag:s31], $0x2800  }
0x110: {  	[sflag:s31] =	ssyncset.done $0x0  }
0x111: {  	[sflag:s31] =	ssyncadd.s32 $0xFFFFD800  }
0x112: {  	_ =	swait.ge [sflag:s26], $0x2800  }
0x113: {  	[sflag:s26] =	ssyncset.done $0x0  }
0x114: {  	[sflag:s26] =	ssyncadd.s32 $0xFFFFD800  }
0x115: {  	[spmem:s2] =	stream.indirect.scatter.add.f32 [tilespmem:s23], [sflag:$0x3], $0x80, s12, s20, $0xb8;
	[tilespmem:$0x1E080] =	vst v63  }
0x116: {  	_ =	swait.ge [sflag:s19], $0x200  }
0x117: {  	[sflag:s19] =	ssyncset.done $0x0  }
0x118: {  	[sflag:s19] =	ssyncadd.s32 $0xFFFFFE00  }
0x119: {  	[tilespmem:s21], [sflag:$0x2] =	stream.indirect.gather [hbm4b:s5+s20], $0x80, s16, s20, $0xb8;
	[tilespmem:$0x1E080] =	vst v63  }
0x11a: {  	_ =	swait.ge [sflag:s31], $0x2800  }
0x11b: {  	[sflag:s31] =	ssyncset.done $0x0  }
0x11c: {  	[sflag:s31] =	ssyncadd.s32 $0xFFFFD800  }
0x11d: {  	_ =	swait.ge [sflag:s26], $0x2800  }
0x11e: {  	[sflag:s26] =	ssyncset.done $0x0  }
0x11f: {  	[sflag:s26] =	ssyncadd.s32 $0xFFFFD800  }
0x120: {  	[spmem:s2] =	stream.indirect.scatter.add.f32 [tilespmem:s24], [sflag:$0x3], $0x80, s13, s20, $0xb8;
	[tilespmem:$0x1E080] =	vst v63  }
0x121: {  	_ = 	snop  }
0x122: {  	[tilespmem:s23], [sflag:$0x2] =	stream.indirect.gather [hbm4b:s5+s20], $0x80, s28, s20, $0xb8;
	[tilespmem:$0x1E080] =	vst v63  }
0x123: {  	_ =	swait.ge [sflag:s31], $0x2800  }
0x124: {  	[sflag:s31] =	ssyncset.done $0x0  }
0x125: {  	[sflag:s31] =	ssyncadd.s32 $0xFFFFD800  }
0x126: {  	_ =	swait.ge [sflag:s26], $0x2800  }
0x127: {  	[sflag:s26] =	ssyncset.done $0x0  }
0x128: {  	[sflag:s26] =	ssyncadd.s32 $0xFFFFD800  }
0x129: {  	[spmem:s2] =	stream.indirect.scatter.add.f32 [tilespmem:s30], [sflag:$0x3], $0x80, s14, s20, $0xb8;
	[tilespmem:$0x1E080] =	vst v63  }
0x12a: {  	_ =	swait.ge [sflag:s31], $0x2800  }
0x12b: {  	[sflag:s31] =	ssyncset.done $0x0  }
0x12c: {  	[sflag:s31] =	ssyncadd.s32 $0xFFFFD800  }
0x12d: {  	_ =	swait.ge [sflag:s26], $0x2800  }
0x12e: {  	[sflag:s26] =	ssyncset.done $0x0  }
0x12f: {  	[sflag:s26] =	ssyncadd.s32 $0xFFFFD800  }
0x130: {  	[spmem:s2] =	stream.indirect.scatter.add.f32 [tilespmem:s21], [sflag:$0x3], $0x80, s29, s20, $0xb8;
	[tilespmem:$0x1E080] =	vst v63  }
0x131: {  	_ =	swait.ge [sflag:s31], $0x2800  }
0x132: {  	[sflag:s31] =	ssyncset.done $0x0  }
0x133: {  	[sflag:s31] =	ssyncadd.s32 $0xFFFFD800  }
0x134: {  	_ =	swait.ge [sflag:s26], $0x2800  }
0x135: {  	[sflag:s26] =	ssyncset.done $0x0  }
0x136: {  	[sflag:s26] =	ssyncadd.s32 $0xFFFFD800  }
0x137: {  	[spmem:s2] =	stream.indirect.scatter.add.f32 [tilespmem:s23], [sflag:$0x3], $0x80, s0, s20, $0xb8;
	[tilespmem:$0x1E080] =	vst v63  }
0x138: {  	_ =	swait.ge [sflag:s31], $0x2800  }
0x139: {  	[sflag:s31] =	ssyncset.done $0x0  }
0x13a: {  	[sflag:s31] =	ssyncadd.s32 $0xFFFFD800  }
0x13b: {  	[bflag:$0x0] =	sbarrier.arrive $0xFFFF  }
0x13c: {  	s28 =	rddreg [dreg:$0xd]  }
0x13d: {  	s15 =	rddreg [dreg:$0x11]  }
0x13e: {  	s22 =	rddreg [dreg:$0x12]  }
0x13f: {  	[hbm:s28], [sflag:s15] =	dma.local [spmem:s22], $0x2710  }
0x140: {  	s22 =	simm.s32 $0x4  }
0x141: {  	_ =	swait.ge [sflag:s22], $0x2710  }
0x142: {  	s25 =	rddreg [dreg:$0x10]  }
0x143: {  	s28 =	rddreg [dreg:$0xe];
	s15 =	sadd.s32 $0x1, s25  }
0x144: {  	p0 =	sne.s32 s15, s28  }
.Ltmp1:
0x145: {  	_ = 	snop;
	(pc) =	sbr.rel @p0 .LBB2_1-.Ltmp1, $3  }
0x146: {  	_ =	sdelay $0x1  }
0x147: {  	[sflag:s22] =	ssyncset.done $0x0  }
0x148: {  	[sflag:s22] =	ssyncadd.s32 $0xFFFFD8F0  }
0x149: {  	_ =	sfence.sel $0x180000  }
0x14a: {  	[bflag:$0x0] =	sbarrier.arrive $0xFFFF  }
0x14b: {  	_ =	strace $0x90000047  }
0x14c: {  	s0 =	stileid.u32;
	[bflag:$0x2] =	sbarrier.arrive $0xFFFF  }
0x14d: {  	p0 =	sne.s32 s0, $0x0;
	s0 =	rddreg [dreg:$0x3]  }
0x14e: {  	s0 =	sadd.s32 @!p0 $0x100000, s0  }
0x14f: {  	[sflag:s0] =	ssyncadd.tile.s32 @!p0 $0x1;
	_ =	shalt  }
.Lfunc_end2:
_tile_overlayer_lowered:
.L_overlay_start_2:
0x150: {  	(tag) =	ssettag $0x2  }
0x151: {  	s0 =	rddreg [dreg:$0x0];
	s2 =	stileid.u32  }
0x152: {  	s1 =	rddreg [dreg:$0x1];
	p0 =	sne.s32 s2, $0x0  }
0x153: {  	s3 =	rddreg [dreg:$0x2];
	[bflag:$0x3] =	sbarrier.arrive $0xFFFF;
	s2 =	simm.s32 @!p0 $0x1C04  }
0x154: {  	[timem:s3], [sflag:s2] =	dma.local @!p0 [hbm:s0], s1  }
0x155: {  	s0 =	simm.s32 @!p0 $0x4  }
0x156: {  	_ =	swait.ge @!p0 [sflag:s0], s1  }
0x157: {  	s1 =	ssub.s32 @!p0 $0x0, s1;
	[sflag:s0] =	ssyncset.done @!p0 $0x0  }
0x158: {  	[sflag:s0] =	ssyncadd.s32 @!p0 s1  }
0x159: {  	[bflag:$0x3] =	sbarrier.arrive $0xFFFF  }
0x15a: {  	_ =	shalt  }

</sc_bundles>
